<compile_context>
chip_gen: v7x
topology: tpu7x:2x2x1
jax: 0.10.2.dev20260603
libtpu: 0.0.44.dev20260713+nightly
codegen_flags: <defaults>
</compile_context>

<pallas_src>
import functools

import jax
import jax.numpy as jnp
import numpy as np
from jax import lax
from jax.experimental import pallas as pl
from jax.experimental.pallas import tpu as pltpu
from jax.experimental.pallas import tpu_sc as plsc

_B_TOTAL = 4096 * 200
_NUM_ROWS = 100
_EMB_D = 32
_LANES = 16
_NT = 7
_ROWS_PAD = _NT * _LANES
_UNROLL = 8

_B_PER_W = _B_TOTAL // 32
_B_STREAM = 8192
_B_CHAIN = _B_PER_W - _B_STREAM

_TIDX = np.zeros((_EMB_D * _ROWS_PAD,), np.int32)
for _c in range(_EMB_D):
    for _r in range(_ROWS_PAD):
        _TIDX[_c * _ROWS_PAD + _r] = (_r % _NUM_ROWS) * _EMB_D + _c

_GATHER_DNUMS = lax.GatherDimensionNumbers(
    offset_dims=(), collapsed_slice_dims=(0,), start_index_map=(0,))


def _dyng(tab, sub):
    return lax.gather(tab, sub[:, None], dimension_numbers=_GATHER_DNUMS,
                      slice_sizes=(1,),
                      mode=lax.GatherScatterMode.PROMISE_IN_BOUNDS)


@jax.jit
def _sc_mean_lookup(qry_flat, emb_flat, tidx):
    info = plsc.get_sparse_core_info()
    NC, NS, L = info.num_cores, info.num_subcores, info.num_lanes
    NW = NC * NS
    b_per_w = _B_TOTAL // NW
    mesh = plsc.VectorSubcoreMesh(core_axis_name="c", subcore_axis_name="s")

    @functools.partial(
        pl.kernel,
        mesh=mesh,
        out_type=jax.ShapeDtypeStruct((_B_TOTAL,), jnp.float32),
        scratch_types=[
            pltpu.VMEM((_B_STREAM,), jnp.int32),
            pltpu.VMEM((_B_CHAIN,), jnp.int32),
            pltpu.VMEM((b_per_w,), jnp.float32),
            pltpu.VMEM((_EMB_D * _ROWS_PAD,), jnp.int32),
            pltpu.VMEM((_EMB_D * _ROWS_PAD,), jnp.float32),
            pltpu.VMEM((_ROWS_PAD,), jnp.float32),
            pltpu.VMEM_SHARED((_ROWS_PAD,), jnp.float32),
            pltpu.SemaphoreType.DMA,
            pltpu.SemaphoreType.DMA,
            pltpu.SemaphoreType.DMA,
            pltpu.SemaphoreType.DMA,
        ],
    )
    def k(qry_hbm, emb_hbm, tidx_hbm, out_hbm,
          idxs_v, idxc_v, out_v, tidx_v, embT_v, means_v, means_sh,
          sem_idx, sem_idxc, sem_t, sem_g):
        wid = lax.axis_index("s") * NC + lax.axis_index("c")
        sid = lax.axis_index("s")
        base = wid * b_per_w

        idxs_dma = pltpu.async_copy(qry_hbm.at[pl.ds(base, _B_STREAM)],
                                    idxs_v, sem_idx)
        idxc_dma = pltpu.async_copy(
            qry_hbm.at[pl.ds(base + _B_STREAM, _B_CHAIN)], idxc_v, sem_idxc)

        @pl.when(sid == 0)
        def _():
            pltpu.sync_copy(tidx_hbm, tidx_v)
            pltpu.async_copy(emb_hbm.at[tidx_v], embT_v, sem_t).wait()
            for b in range(_NT):
                acc = embT_v[pl.ds(b * L, L)]
                for c in range(1, _EMB_D):
                    acc = acc + embT_v[pl.ds(c * _ROWS_PAD + b * L, L)]
                means_v[pl.ds(b * L, L)] = acc * (1.0 / _EMB_D)
            pltpu.sync_copy(means_v, means_sh)

        plsc.subcore_barrier()
        idxs_dma.wait()

        gather_dma = pltpu.async_copy(means_sh.at[idxs_v],
                                      out_v.at[pl.ds(0, _B_STREAM)], sem_g)

        pltpu.sync_copy(means_sh, means_v)
        tabs = [means_v[pl.ds(t * L, L)] for t in range(_NT)]
        idxc_dma.wait()

        def step(ii):
            idx = idxc_v[pl.ds(ii, L)]
            sub = idx & (L - 1)
            res = _dyng(tabs[0], sub)
            for t in range(1, _NT):
                res = jnp.where(idx >= t * L, _dyng(tabs[t], sub), res)
            out_v[pl.ds(_B_STREAM + ii, L)] = res

        @plsc.parallel_loop(0, _B_CHAIN // L, step=1, unroll=_UNROLL)
        def _chain_loop(i):
            step(i * L)

        gather_dma.wait()
        pltpu.sync_copy(out_v, out_hbm.at[pl.ds(base, b_per_w)])

    return k(qry_flat, emb_flat, tidx)


def kernel(q_seq, r_seq, qry_seq, emb_table):
    B, S = qry_seq.shape
    qry_flat = qry_seq.reshape(-1).astype(jnp.int32)
    emb_flat = emb_table.reshape(-1)
    out = _sc_mean_lookup(qry_flat, emb_flat, jnp.asarray(_TIDX))
    return out.reshape(B, S)

# --- scband reference (transcript-rebuilt; emitter-appended) ---
"""Pipeline reference for scband-mock-saktmodel-51934744543733 (READ-ONLY COPY).

The authoritative reference and input builder live on the scoring server;
editing this copy changes nothing except your own understanding.
"""

import jax, jax.numpy as jnp
import numpy as np


def setup_inputs(seed: int = 0) -> dict:
    key = jax.random.key(seed)
    k1, k2, k3, k4 = jax.random.split(key, 4)
    q_seq = jax.random.randint(k1, (4096, 200), 0, 100, dtype=jnp.int64) if jax.config.read('jax_enable_x64') else jax.random.randint(k1, (4096, 200), 0, 100).astype(jnp.int32)
    r_seq = jax.random.randint(k2, (4096, 200), 0, 100).astype(jnp.int32)
    qry_seq = jax.random.randint(k3, (4096, 200), 0, 100).astype(jnp.int32)
    # learned parameter: embedding table (hardcoded in module as nn.Embedding(100, 32))
    emb_table = jax.random.normal(k4, (100, 32), dtype=jnp.float32)
    return {"q_seq": q_seq, "r_seq": r_seq, "qry_seq": qry_seq, "emb_table": emb_table}


def reference(q_seq, r_seq, qry_seq, emb_table):
    # x = self.emb(qry_seq)  -> embedding gather
    x = jnp.take(emb_table, qry_seq, axis=0)  # [B, L, 32]
    # MockAttentionLayer returns (x, random attn_weights); attn_weights unused downstream,
    # output is identically x, so the forward output is x.mean(dim=-1).
    output = x
    return output.mean(axis=-1)  # [B, L]

if __name__ == "__main__":
    import jax
    _d = setup_inputs()
    print(jax.jit(kernel)(*tuple(_d.values())))

</pallas_src>

<mosaic_0001>
#map = affine_map<(d0, d1) -> (0)>
module attributes {stable_mosaic.version = 14 : i64} {
  func.func @k(%arg0: i32, %arg1: i32, %arg2: memref<819200xi32, #tpu.memory_space<hbm>>, %arg3: memref<3200xf32, #tpu.memory_space<hbm>>, %arg4: memref<3584xi32, #tpu.memory_space<hbm>>, %arg5: memref<819200xf32, #tpu.memory_space<hbm>>, %arg6: memref<8192xi32, #tpu.memory_space<vmem>>, %arg7: memref<17408xi32, #tpu.memory_space<vmem>>, %arg8: memref<25600xf32, #tpu.memory_space<vmem>>, %arg9: memref<3584xi32, #tpu.memory_space<vmem>>, %arg10: memref<3584xf32, #tpu.memory_space<vmem>>, %arg11: memref<112xf32, #tpu.memory_space<vmem>>, %arg12: memref<112xf32, #tpu.memory_space<vmem_shared>>, %arg13: memref<!tpu.dma_semaphore, #tpu.memory_space<semaphore_mem>>, %arg14: memref<!tpu.dma_semaphore, #tpu.memory_space<semaphore_mem>>, %arg15: memref<!tpu.dma_semaphore, #tpu.memory_space<semaphore_mem>>, %arg16: memref<!tpu.dma_semaphore, #tpu.memory_space<semaphore_mem>>) attributes {dimension_semantics = [#tpu.dimension_semantics<core_parallel>, #tpu.dimension_semantics<subcore_parallel>], iteration_bounds = array<i64: 2, 16>, scalar_prefetch = 0 : i64, scratch_operands = 11 : i64, tpu.core_type = #tpu.core_type<sc_vector_subcore>, window_params = [{transform_indices = #map}, {transform_indices = #map}, {transform_indices = #map}, {transform_indices = #map}]} {
    %mul3A = arith.constant 2 : i32
    %mul3A_0 = arith.muli %arg1, %mul3A : i32
    %add3A = arith.addi %mul3A_0, %arg0 : i32
    %mul3A_1 = arith.constant 25600 : i32
    %mul3A_2 = arith.muli %add3A, %mul3A_1 : i32
    %dma_start3A = tpu.memref_slice %arg2[%mul3A_2] : memref<819200xi32, #tpu.memory_space<hbm>> -> memref<8192xi32, #tpu.memory_space<hbm>>
    %dma_start3A_3 = tpu.memref_slice %arg2[%mul3A_2] : memref<819200xi32, #tpu.memory_space<hbm>> -> memref<8192xi32, #tpu.memory_space<hbm>>
    tpu.enqueue_dma source(%dma_start3A_3 : memref<8192xi32, #tpu.memory_space<hbm>>) target(%arg6 : memref<8192xi32, #tpu.memory_space<vmem>>) target_semaphore(%arg13 : memref<!tpu.dma_semaphore, #tpu.memory_space<semaphore_mem>>)
    %add3A_4 = arith.constant 8192 : i32
    %add3A_5 = arith.addi %mul3A_2, %add3A_4 : i32
    %dma_start3A_6 = tpu.memref_slice %arg2[%add3A_5] : memref<819200xi32, #tpu.memory_space<hbm>> -> memref<17408xi32, #tpu.memory_space<hbm>>
    %dma_start3A_7 = tpu.memref_slice %arg2[%add3A_5] : memref<819200xi32, #tpu.memory_space<hbm>> -> memref<17408xi32, #tpu.memory_space<hbm>>
    tpu.enqueue_dma source(%dma_start3A_7 : memref<17408xi32, #tpu.memory_space<hbm>>) target(%arg7 : memref<17408xi32, #tpu.memory_space<vmem>>) target_semaphore(%arg14 : memref<!tpu.dma_semaphore, #tpu.memory_space<semaphore_mem>>)
    %eq3A = arith.constant 0 : i32
    %eq3A_8 = arith.cmpi eq, %arg1, %eq3A : i32
    %convert_element_type3A = arith.extui %eq3A_8 : i1 to i32
    %cond3A = arith.constant 0 : i32
    %cond3A_9 = arith.cmpi ne, %convert_element_type3A, %cond3A : i32
    scf.if %cond3A_9 {
      "tpu.region"() ({
        %run_scoped3A = tpu.sem_alloc : memref<!tpu.dma_semaphore, #tpu.memory_space<semaphore_mem>>
        tpu.enqueue_dma source(%arg4 : memref<3584xi32, #tpu.memory_space<hbm>>) target(%arg9 : memref<3584xi32, #tpu.memory_space<vmem>>) target_semaphore(%run_scoped3A : memref<!tpu.dma_semaphore, #tpu.memory_space<semaphore_mem>>)
        tpu.wait_dma2 semaphore(%run_scoped3A : memref<!tpu.dma_semaphore, #tpu.memory_space<semaphore_mem>>) src(%arg4 : memref<3584xi32, #tpu.memory_space<hbm>>) dst(%arg9 : memref<3584xi32, #tpu.memory_space<vmem>>)
        tpu.yield
      }) : () -> ()
      %dma_start3A_43 = arith.constant 0 : i32
      %dma_start3A_44 = tpu.memref_slice %arg3[%dma_start3A_43] : memref<3200xf32, #tpu.memory_space<hbm>> -> memref<3200xf32, #tpu.memory_space<hbm>>
      tpu.enqueue_indirect_dma source(%dma_start3A_44 : memref<3200xf32, #tpu.memory_space<hbm>>) target(%arg10 : memref<3584xf32, #tpu.memory_space<vmem>>) offsets(%arg9 : memref<3584xi32, #tpu.memory_space<vmem>>) semaphore(%arg15 : memref<!tpu.dma_semaphore, #tpu.memory_space<semaphore_mem>>)
      %dma_wait3A_45 = arith.constant 0 : i32
      %dma_wait3A_46 = tpu.memref_slice %arg3[%dma_wait3A_45] : memref<3200xf32, #tpu.memory_space<hbm>> -> memref<3200xf32, #tpu.memory_space<hbm>>
      tpu.wait_indirect_dma semaphore(%arg15 : memref<!tpu.dma_semaphore, #tpu.memory_space<semaphore_mem>>) src(%dma_wait3A_46 : memref<3200xf32, #tpu.memory_space<hbm>>) dst(%arg10 : memref<3584xf32, #tpu.memory_space<vmem>>)
      %get3A_47 = arith.constant 0 : index
      %get3A_48 = tpu.vector_load %arg10[%get3A_47] {strides = array<i32>} : memref<3584xf32, #tpu.memory_space<vmem>>, vector<16xf32>,
      %get3A_49 = vector.shape_cast %get3A_48 : vector<16xf32> to vector<16xf32>
      %get3A_50 = arith.constant 112 : index
      %get3A_51 = tpu.vector_load %arg10[%get3A_50] {strides = array<i32>} : memref<3584xf32, #tpu.memory_space<vmem>>, vector<16xf32>,
      %get3A_52 = vector.shape_cast %get3A_51 : vector<16xf32> to vector<16xf32>
      %add3A_53 = arith.addf %get3A_49, %get3A_52 : vector<16xf32>
      %get3A_54 = arith.constant 224 : index
      %get3A_55 = tpu.vector_load %arg10[%get3A_54] {strides = array<i32>} : memref<3584xf32, #tpu.memory_space<vmem>>, vector<16xf32>,
      %get3A_56 = vector.shape_cast %get3A_55 : vector<16xf32> to vector<16xf32>
      %add3A_57 = arith.addf %add3A_53, %get3A_56 : vector<16xf32>
      %get3A_58 = arith.constant 336 : index
      %get3A_59 = tpu.vector_load %arg10[%get3A_58] {strides = array<i32>} : memref<3584xf32, #tpu.memory_space<vmem>>, vector<16xf32>,
      %get3A_60 = vector.shape_cast %get3A_59 : vector<16xf32> to vector<16xf32>
      %add3A_61 = arith.addf %add3A_57, %get3A_60 : vector<16xf32>
      %get3A_62 = arith.constant 448 : index
      %get3A_63 = tpu.vector_load %arg10[%get3A_62] {strides = array<i32>} : memref<3584xf32, #tpu.memory_space<vmem>>, vector<16xf32>,
      %get3A_64 = vector.shape_cast %get3A_63 : vector<16xf32> to vector<16xf32>
      %add3A_65 = arith.addf %add3A_61, %get3A_64 : vector<16xf32>
      %get3A_66 = arith.constant 560 : index
      %get3A_67 = tpu.vector_load %arg10[%get3A_66] {strides = array<i32>} : memref<3584xf32, #tpu.memory_space<vmem>>, vector<16xf32>,
      %get3A_68 = vector.shape_cast %get3A_67 : vector<16xf32> to vector<16xf32>
      %add3A_69 = arith.addf %add3A_65, %get3A_68 : vector<16xf32>
      %get3A_70 = arith.constant 672 : index
      %get3A_71 = tpu.vector_load %arg10[%get3A_70] {strides = array<i32>} : memref<3584xf32, #tpu.memory_space<vmem>>, vector<16xf32>,
      %get3A_72 = vector.shape_cast %get3A_71 : vector<16xf32> to vector<16xf32>
      %add3A_73 = arith.addf %add3A_69, %get3A_72 : vector<16xf32>
      %get3A_74 = arith.constant 784 : index
      %get3A_75 = tpu.vector_load %arg10[%get3A_74] {strides = array<i32>} : memref<3584xf32, #tpu.memory_space<vmem>>, vector<16xf32>,
      %get3A_76 = vector.shape_cast %get3A_75 : vector<16xf32> to vector<16xf32>
      %add3A_77 = arith.addf %add3A_73, %get3A_76 : vector<16xf32>
      %get3A_78 = arith.constant 896 : index
      %get3A_79 = tpu.vector_load %arg10[%get3A_78] {strides = array<i32>} : memref<3584xf32, #tpu.memory_space<vmem>>, vector<16xf32>,
      %get3A_80 = vector.shape_cast %get3A_79 : vector<16xf32> to vector<16xf32>
      %add3A_81 = arith.addf %add3A_77, %get3A_80 : vector<16xf32>
      %get3A_82 = arith.constant 1008 : index
      %get3A_83 = tpu.vector_load %arg10[%get3A_82] {strides = array<i32>} : memref<3584xf32, #tpu.memory_space<vmem>>, vector<16xf32>,
      %get3A_84 = vector.shape_cast %get3A_83 : vector<16xf32> to vector<16xf32>
      %add3A_85 = arith.addf %add3A_81, %get3A_84 : vector<16xf32>
      %get3A_86 = arith.constant 1120 : index
      %get3A_87 = tpu.vector_load %arg10[%get3A_86] {strides = array<i32>} : memref<3584xf32, #tpu.memory_space<vmem>>, vector<16xf32>,
      %get3A_88 = vector.shape_cast %get3A_87 : vector<16xf32> to vector<16xf32>
      %add3A_89 = arith.addf %add3A_85, %get3A_88 : vector<16xf32>
      %get3A_90 = arith.constant 1232 : index
      %get3A_91 = tpu.vector_load %arg10[%get3A_90] {strides = array<i32>} : memref<3584xf32, #tpu.memory_space<vmem>>, vector<16xf32>,
      %get3A_92 = vector.shape_cast %get3A_91 : vector<16xf32> to vector<16xf32>
      %add3A_93 = arith.addf %add3A_89, %get3A_92 : vector<16xf32>
      %get3A_94 = arith.constant 1344 : index
      %get3A_95 = tpu.vector_load %arg10[%get3A_94] {strides = array<i32>} : memref<3584xf32, #tpu.memory_space<vmem>>, vector<16xf32>,
      %get3A_96 = vector.shape_cast %get3A_95 : vector<16xf32> to vector<16xf32>
      %add3A_97 = arith.addf %add3A_93, %get3A_96 : vector<16xf32>
      %get3A_98 = arith.constant 1456 : index
      %get3A_99 = tpu.vector_load %arg10[%get3A_98] {strides = array<i32>} : memref<3584xf32, #tpu.memory_space<vmem>>, vector<16xf32>,
      %get3A_100 = vector.shape_cast %get3A_99 : vector<16xf32> to vector<16xf32>
      %add3A_101 = arith.addf %add3A_97, %get3A_100 : vector<16xf32>
      %get3A_102 = arith.constant 1568 : index
      %get3A_103 = tpu.vector_load %arg10[%get3A_102] {strides = array<i32>} : memref<3584xf32, #tpu.memory_space<vmem>>, vector<16xf32>,
      %get3A_104 = vector.shape_cast %get3A_103 : vector<16xf32> to vector<16xf32>
      %add3A_105 = arith.addf %add3A_101, %get3A_104 : vector<16xf32>
      %get3A_106 = arith.constant 1680 : index
      %get3A_107 = tpu.vector_load %arg10[%get3A_106] {strides = array<i32>} : memref<3584xf32, #tpu.memory_space<vmem>>, vector<16xf32>,
      %get3A_108 = vector.shape_cast %get3A_107 : vector<16xf32> to vector<16xf32>
      %add3A_109 = arith.addf %add3A_105, %get3A_108 : vector<16xf32>
      %get3A_110 = arith.constant 1792 : index
      %get3A_111 = tpu.vector_load %arg10[%get3A_110] {strides = array<i32>} : memref<3584xf32, #tpu.memory_space<vmem>>, vector<16xf32>,
      %get3A_112 = vector.shape_cast %get3A_111 : vector<16xf32> to vector<16xf32>
      %add3A_113 = arith.addf %add3A_109, %get3A_112 : vector<16xf32>
      %get3A_114 = arith.constant 1904 : index
      %get3A_115 = tpu.vector_load %arg10[%get3A_114] {strides = array<i32>} : memref<3584xf32, #tpu.memory_space<vmem>>, vector<16xf32>,
      %get3A_116 = vector.shape_cast %get3A_115 : vector<16xf32> to vector<16xf32>
      %add3A_117 = arith.addf %add3A_113, %get3A_116 : vector<16xf32>
      %get3A_118 = arith.constant 2016 : index
      %get3A_119 = tpu.vector_load %arg10[%get3A_118] {strides = array<i32>} : memref<3584xf32, #tpu.memory_space<vmem>>, vector<16xf32>,
      %get3A_120 = vector.shape_cast %get3A_119 : vector<16xf32> to vector<16xf32>
      %add3A_121 = arith.addf %add3A_117, %get3A_120 : vector<16xf32>
      %get3A_122 = arith.constant 2128 : index
      %get3A_123 = tpu.vector_load %arg10[%get3A_122] {strides = array<i32>} : memref<3584xf32, #tpu.memory_space<vmem>>, vector<16xf32>,
      %get3A_124 = vector.shape_cast %get3A_123 : vector<16xf32> to vector<16xf32>
      %add3A_125 = arith.addf %add3A_121, %get3A_124 : vector<16xf32>
      %get3A_126 = arith.constant 2240 : index
      %get3A_127 = tpu.vector_load %arg10[%get3A_126] {strides = array<i32>} : memref<3584xf32, #tpu.memory_space<vmem>>, vector<16xf32>,
      %get3A_128 = vector.shape_cast %get3A_127 : vector<16xf32> to vector<16xf32>
      %add3A_129 = arith.addf %add3A_125, %get3A_128 : vector<16xf32>
      %get3A_130 = arith.constant 2352 : index
      %get3A_131 = tpu.vector_load %arg10[%get3A_130] {strides = array<i32>} : memref<3584xf32, #tpu.memory_space<vmem>>, vector<16xf32>,
      %get3A_132 = vector.shape_cast %get3A_131 : vector<16xf32> to vector<16xf32>
      %add3A_133 = arith.addf %add3A_129, %get3A_132 : vector<16xf32>
      %get3A_134 = arith.constant 2464 : index
      %get3A_135 = tpu.vector_load %arg10[%get3A_134] {strides = array<i32>} : memref<3584xf32, #tpu.memory_space<vmem>>, vector<16xf32>,
      %get3A_136 = vector.shape_cast %get3A_135 : vector<16xf32> to vector<16xf32>
      %add3A_137 = arith.addf %add3A_133, %get3A_136 : vector<16xf32>
      %get3A_138 = arith.constant 2576 : index
      %get3A_139 = tpu.vector_load %arg10[%get3A_138] {strides = array<i32>} : memref<3584xf32, #tpu.memory_space<vmem>>, vector<16xf32>,
      %get3A_140 = vector.shape_cast %get3A_139 : vector<16xf32> to vector<16xf32>
      %add3A_141 = arith.addf %add3A_137, %get3A_140 : vector<16xf32>
      %get3A_142 = arith.constant 2688 : index
      %get3A_143 = tpu.vector_load %arg10[%get3A_142] {strides = array<i32>} : memref<3584xf32, #tpu.memory_space<vmem>>, vector<16xf32>,
      %get3A_144 = vector.shape_cast %get3A_143 : vector<16xf32> to vector<16xf32>
      %add3A_145 = arith.addf %add3A_141, %get3A_144 : vector<16xf32>
      %get3A_146 = arith.constant 2800 : index
      %get3A_147 = tpu.vector_load %arg10[%get3A_146] {strides = array<i32>} : memref<3584xf32, #tpu.memory_space<vmem>>, vector<16xf32>,
      %get3A_148 = vector.shape_cast %get3A_147 : vector<16xf32> to vector<16xf32>
      %add3A_149 = arith.addf %add3A_145, %get3A_148 : vector<16xf32>
      %get3A_150 = arith.constant 2912 : index
      %get3A_151 = tpu.vector_load %arg10[%get3A_150] {strides = array<i32>} : memref<3584xf32, #tpu.memory_space<vmem>>, vector<16xf32>,
      %get3A_152 = vector.shape_cast %get3A_151 : vector<16xf32> to vector<16xf32>
      %add3A_153 = arith.addf %add3A_149, %get3A_152 : vector<16xf32>
      %get3A_154 = arith.constant 3024 : index
      %get3A_155 = tpu.vector_load %arg10[%get3A_154] {strides = array<i32>} : memref<3584xf32, #tpu.memory_space<vmem>>, vector<16xf32>,
      %get3A_156 = vector.shape_cast %get3A_155 : vector<16xf32> to vector<16xf32>
      %add3A_157 = arith.addf %add3A_153, %get3A_156 : vector<16xf32>
      %get3A_158 = arith.constant 3136 : index
      %get3A_159 = tpu.vector_load %arg10[%get3A_158] {strides = array<i32>} : memref<3584xf32, #tpu.memory_space<vmem>>, vector<16xf32>,
      %get3A_160 = vector.shape_cast %get3A_159 : vector<16xf32> to vector<16xf32>
      %add3A_161 = arith.addf %add3A_157, %get3A_160 : vector<16xf32>
      %get3A_162 = arith.constant 3248 : index
      %get3A_163 = tpu.vector_load %arg10[%get3A_162] {strides = array<i32>} : memref<3584xf32, #tpu.memory_space<vmem>>, vector<16xf32>,
      %get3A_164 = vector.shape_cast %get3A_163 : vector<16xf32> to vector<16xf32>
      %add3A_165 = arith.addf %add3A_161, %get3A_164 : vector<16xf32>
      %get3A_166 = arith.constant 3360 : index
      %get3A_167 = tpu.vector_load %arg10[%get3A_166] {strides = array<i32>} : memref<3584xf32, #tpu.memory_space<vmem>>, vector<16xf32>,
      %get3A_168 = vector.shape_cast %get3A_167 : vector<16xf32> to vector<16xf32>
      %add3A_169 = arith.addf %add3A_165, %get3A_168 : vector<16xf32>
      %get3A_170 = arith.constant 3472 : index
      %get3A_171 = tpu.vector_load %arg10[%get3A_170] {strides = array<i32>} : memref<3584xf32, #tpu.memory_space<vmem>>, vector<16xf32>,
      %get3A_172 = vector.shape_cast %get3A_171 : vector<16xf32> to vector<16xf32>
      %add3A_173 = arith.addf %add3A_169, %get3A_172 : vector<16xf32>
      %mul3A_174 = arith.constant 3.125000e-02 : f32
      %mul3A_175 = vector.broadcast %mul3A_174 : f32 to vector<16xf32>
      %mul3A_176 = arith.mulf %add3A_173, %mul3A_175 : vector<16xf32>
      %swap3A = arith.constant 0 : index
      %swap3A_177 = tpu.vector_load %arg11[%swap3A] {strides = array<i32>} : memref<112xf32, #tpu.memory_space<vmem>>, vector<16xf32>,
      %swap3A_178 = vector.shape_cast %swap3A_177 : vector<16xf32> to vector<16xf32>
      %swap3A_179 = vector.shape_cast %mul3A_176 : vector<16xf32> to vector<16xf32>
      tpu.vector_store %arg11[%swap3A], %swap3A_179 {strides = array<i32>} : memref<112xf32, #tpu.memory_space<vmem>>, vector<16xf32>,
      %get3A_180 = arith.constant 16 : index
      %get3A_181 = tpu.vector_load %arg10[%get3A_180] {strides = array<i32>} : memref<3584xf32, #tpu.memory_space<vmem>>, vector<16xf32>,
      %get3A_182 = vector.shape_cast %get3A_181 : vector<16xf32> to vector<16xf32>
      %get3A_183 = arith.constant 128 : index
      %get3A_184 = tpu.vector_load %arg10[%get3A_183] {strides = array<i32>} : memref<3584xf32, #tpu.memory_space<vmem>>, vector<16xf32>,
      %get3A_185 = vector.shape_cast %get3A_184 : vector<16xf32> to vector<16xf32>
      %add3A_186 = arith.addf %get3A_182, %get3A_185 : vector<16xf32>
      %get3A_187 = arith.constant 240 : index
      %get3A_188 = tpu.vector_load %arg10[%get3A_187] {strides = array<i32>} : memref<3584xf32, #tpu.memory_space<vmem>>, vector<16xf32>,
      %get3A_189 = vector.shape_cast %get3A_188 : vector<16xf32> to vector<16xf32>
      %add3A_190 = arith.addf %add3A_186, %get3A_189 : vector<16xf32>
      %get3A_191 = arith.constant 352 : index
      %get3A_192 = tpu.vector_load %arg10[%get3A_191] {strides = array<i32>} : memref<3584xf32, #tpu.memory_space<vmem>>, vector<16xf32>,
      %get3A_193 = vector.shape_cast %get3A_192 : vector<16xf32> to vector<16xf32>
      %add3A_194 = arith.addf %add3A_190, %get3A_193 : vector<16xf32>
      %get3A_195 = arith.constant 464 : index
      %get3A_196 = tpu.vector_load %arg10[%get3A_195] {strides = array<i32>} : memref<3584xf32, #tpu.memory_space<vmem>>, vector<16xf32>,
      %get3A_197 = vector.shape_cast %get3A_196 : vector<16xf32> to vector<16xf32>
      %add3A_198 = arith.addf %add3A_194, %get3A_197 : vector<16xf32>
      %get3A_199 = arith.constant 576 : index
      %get3A_200 = tpu.vector_load %arg10[%get3A_199] {strides = array<i32>} : memref<3584xf32, #tpu.memory_space<vmem>>, vector<16xf32>,
      %get3A_201 = vector.shape_cast %get3A_200 : vector<16xf32> to vector<16xf32>
      %add3A_202 = arith.addf %add3A_198, %get3A_201 : vector<16xf32>
      %get3A_203 = arith.constant 688 : index
      %get3A_204 = tpu.vector_load %arg10[%get3A_203] {strides = array<i32>} : memref<3584xf32, #tpu.memory_space<vmem>>, vector<16xf32>,
      %get3A_205 = vector.shape_cast %get3A_204 : vector<16xf32> to vector<16xf32>
      %add3A_206 = arith.addf %add3A_202, %get3A_205 : vector<16xf32>
      %get3A_207 = arith.constant 800 : index
      %get3A_208 = tpu.vector_load %arg10[%get3A_207] {strides = array<i32>} : memref<3584xf32, #tpu.memory_space<vmem>>, vector<16xf32>,
      %get3A_209 = vector.shape_cast %get3A_208 : vector<16xf32> to vector<16xf32>
      %add3A_210 = arith.addf %add3A_206, %get3A_209 : vector<16xf32>
      %get3A_211 = arith.constant 912 : index
      %get3A_212 = tpu.vector_load %arg10[%get3A_211] {strides = array<i32>} : memref<3584xf32, #tpu.memory_space<vmem>>, vector<16xf32>,
      %get3A_213 = vector.shape_cast %get3A_212 : vector<16xf32> to vector<16xf32>
      %add3A_214 = arith.addf %add3A_210, %get3A_213 : vector<16xf32>
      %get3A_215 = arith.constant 1024 : index
      %get3A_216 = tpu.vector_load %arg10[%get3A_215] {strides = array<i32>} : memref<3584xf32, #tpu.memory_space<vmem>>, vector<16xf32>,
      %get3A_217 = vector.shape_cast %get3A_216 : vector<16xf32> to vector<16xf32>
      %add3A_218 = arith.addf %add3A_214, %get3A_217 : vector<16xf32>
      %get3A_219 = arith.constant 1136 : index
      %get3A_220 = tpu.vector_load %arg10[%get3A_219] {strides = array<i32>} : memref<3584xf32, #tpu.memory_space<vmem>>, vector<16xf32>,
      %get3A_221 = vector.shape_cast %get3A_220 : vector<16xf32> to vector<16xf32>
      %add3A_222 = arith.addf %add3A_218, %get3A_221 : vector<16xf32>
      %get3A_223 = arith.constant 1248 : index
      %get3A_224 = tpu.vector_load %arg10[%get3A_223] {strides = array<i32>} : memref<3584xf32, #tpu.memory_space<vmem>>, vector<16xf32>,
      %get3A_225 = vector.shape_cast %get3A_224 : vector<16xf32> to vector<16xf32>
      %add3A_226 = arith.addf %add3A_222, %get3A_225 : vector<16xf32>
      %get3A_227 = arith.constant 1360 : index
      %get3A_228 = tpu.vector_load %arg10[%get3A_227] {strides = array<i32>} : memref<3584xf32, #tpu.memory_space<vmem>>, vector<16xf32>,
      %get3A_229 = vector.shape_cast %get3A_228 : vector<16xf32> to vector<16xf32>
      %add3A_230 = arith.addf %add3A_226, %get3A_229 : vector<16xf32>
      %get3A_231 = arith.constant 1472 : index
      %get3A_232 = tpu.vector_load %arg10[%get3A_231] {strides = array<i32>} : memref<3584xf32, #tpu.memory_space<vmem>>, vector<16xf32>,
      %get3A_233 = vector.shape_cast %get3A_232 : vector<16xf32> to vector<16xf32>
      %add3A_234 = arith.addf %add3A_230, %get3A_233 : vector<16xf32>
      %get3A_235 = arith.constant 1584 : index
      %get3A_236 = tpu.vector_load %arg10[%get3A_235] {strides = array<i32>} : memref<3584xf32, #tpu.memory_space<vmem>>, vector<16xf32>,
      %get3A_237 = vector.shape_cast %get3A_236 : vector<16xf32> to vector<16xf32>
      %add3A_238 = arith.addf %add3A_234, %get3A_237 : vector<16xf32>
      %get3A_239 = arith.constant 1696 : index
      %get3A_240 = tpu.vector_load %arg10[%get3A_239] {strides = array<i32>} : memref<3584xf32, #tpu.memory_space<vmem>>, vector<16xf32>,
      %get3A_241 = vector.shape_cast %get3A_240 : vector<16xf32> to vector<16xf32>
      %add3A_242 = arith.addf %add3A_238, %get3A_241 : vector<16xf32>
      %get3A_243 = arith.constant 1808 : index
      %get3A_244 = tpu.vector_load %arg10[%get3A_243] {strides = array<i32>} : memref<3584xf32, #tpu.memory_space<vmem>>, vector<16xf32>,
      %get3A_245 = vector.shape_cast %get3A_244 : vector<16xf32> to vector<16xf32>
      %add3A_246 = arith.addf %add3A_242, %get3A_245 : vector<16xf32>
      %get3A_247 = arith.constant 1920 : index
      %get3A_248 = tpu.vector_load %arg10[%get3A_247] {strides = array<i32>} : memref<3584xf32, #tpu.memory_space<vmem>>, vector<16xf32>,
      %get3A_249 = vector.shape_cast %get3A_248 : vector<16xf32> to vector<16xf32>
      %add3A_250 = arith.addf %add3A_246, %get3A_249 : vector<16xf32>
      %get3A_251 = arith.constant 2032 : index
      %get3A_252 = tpu.vector_load %arg10[%get3A_251] {strides = array<i32>} : memref<3584xf32, #tpu.memory_space<vmem>>, vector<16xf32>,
      %get3A_253 = vector.shape_cast %get3A_252 : vector<16xf32> to vector<16xf32>
      %add3A_254 = arith.addf %add3A_250, %get3A_253 : vector<16xf32>
      %get3A_255 = arith.constant 2144 : index
      %get3A_256 = tpu.vector_load %arg10[%get3A_255] {strides = array<i32>} : memref<3584xf32, #tpu.memory_space<vmem>>, vector<16xf32>,
      %get3A_257 = vector.shape_cast %get3A_256 : vector<16xf32> to vector<16xf32>
      %add3A_258 = arith.addf %add3A_254, %get3A_257 : vector<16xf32>
      %get3A_259 = arith.constant 2256 : index
      %get3A_260 = tpu.vector_load %arg10[%get3A_259] {strides = array<i32>} : memref<3584xf32, #tpu.memory_space<vmem>>, vector<16xf32>,
      %get3A_261 = vector.shape_cast %get3A_260 : vector<16xf32> to vector<16xf32>
      %add3A_262 = arith.addf %add3A_258, %get3A_261 : vector<16xf32>
      %get3A_263 = arith.constant 2368 : index
      %get3A_264 = tpu.vector_load %arg10[%get3A_263] {strides = array<i32>} : memref<3584xf32, #tpu.memory_space<vmem>>, vector<16xf32>,
      %get3A_265 = vector.shape_cast %get3A_264 : vector<16xf32> to vector<16xf32>
      %add3A_266 = arith.addf %add3A_262, %get3A_265 : vector<16xf32>
      %get3A_267 = arith.constant 2480 : index
      %get3A_268 = tpu.vector_load %arg10[%get3A_267] {strides = array<i32>} : memref<3584xf32, #tpu.memory_space<vmem>>, vector<16xf32>,
      %get3A_269 = vector.shape_cast %get3A_268 : vector<16xf32> to vector<16xf32>
      %add3A_270 = arith.addf %add3A_266, %get3A_269 : vector<16xf32>
      %get3A_271 = arith.constant 2592 : index
      %get3A_272 = tpu.vector_load %arg10[%get3A_271] {strides = array<i32>} : memref<3584xf32, #tpu.memory_space<vmem>>, vector<16xf32>,
      %get3A_273 = vector.shape_cast %get3A_272 : vector<16xf32> to vector<16xf32>
      %add3A_274 = arith.addf %add3A_270, %get3A_273 : vector<16xf32>
      %get3A_275 = arith.constant 2704 : index
      %get3A_276 = tpu.vector_load %arg10[%get3A_275] {strides = array<i32>} : memref<3584xf32, #tpu.memory_space<vmem>>, vector<16xf32>,
      %get3A_277 = vector.shape_cast %get3A_276 : vector<16xf32> to vector<16xf32>
      %add3A_278 = arith.addf %add3A_274, %get3A_277 : vector<16xf32>
      %get3A_279 = arith.constant 2816 : index
      %get3A_280 = tpu.vector_load %arg10[%get3A_279] {strides = array<i32>} : memref<3584xf32, #tpu.memory_space<vmem>>, vector<16xf32>,
      %get3A_281 = vector.shape_cast %get3A_280 : vector<16xf32> to vector<16xf32>
      %add3A_282 = arith.addf %add3A_278, %get3A_281 : vector<16xf32>
      %get3A_283 = arith.constant 2928 : index
      %get3A_284 = tpu.vector_load %arg10[%get3A_283] {strides = array<i32>} : memref<3584xf32, #tpu.memory_space<vmem>>, vector<16xf32>,
      %get3A_285 = vector.shape_cast %get3A_284 : vector<16xf32> to vector<16xf32>
      %add3A_286 = arith.addf %add3A_282, %get3A_285 : vector<16xf32>
      %get3A_287 = arith.constant 3040 : index
      %get3A_288 = tpu.vector_load %arg10[%get3A_287] {strides = array<i32>} : memref<3584xf32, #tpu.memory_space<vmem>>, vector<16xf32>,
      %get3A_289 = vector.shape_cast %get3A_288 : vector<16xf32> to vector<16xf32>
      %add3A_290 = arith.addf %add3A_286, %get3A_289 : vector<16xf32>
      %get3A_291 = arith.constant 3152 : index
      %get3A_292 = tpu.vector_load %arg10[%get3A_291] {strides = array<i32>} : memref<3584xf32, #tpu.memory_space<vmem>>, vector<16xf32>,
      %get3A_293 = vector.shape_cast %get3A_292 : vector<16xf32> to vector<16xf32>
      %add3A_294 = arith.addf %add3A_290, %get3A_293 : vector<16xf32>
      %get3A_295 = arith.constant 3264 : index
      %get3A_296 = tpu.vector_load %arg10[%get3A_295] {strides = array<i32>} : memref<3584xf32, #tpu.memory_space<vmem>>, vector<16xf32>,
      %get3A_297 = vector.shape_cast %get3A_296 : vector<16xf32> to vector<16xf32>
      %add3A_298 = arith.addf %add3A_294, %get3A_297 : vector<16xf32>
      %get3A_299 = arith.constant 3376 : index
      %get3A_300 = tpu.vector_load %arg10[%get3A_299] {strides = array<i32>} : memref<3584xf32, #tpu.memory_space<vmem>>, vector<16xf32>,
      %get3A_301 = vector.shape_cast %get3A_300 : vector<16xf32> to vector<16xf32>
      %add3A_302 = arith.addf %add3A_298, %get3A_301 : vector<16xf32>
      %get3A_303 = arith.constant 3488 : index
      %get3A_304 = tpu.vector_load %arg10[%get3A_303] {strides = array<i32>} : memref<3584xf32, #tpu.memory_space<vmem>>, vector<16xf32>,
      %get3A_305 = vector.shape_cast %get3A_304 : vector<16xf32> to vector<16xf32>
      %add3A_306 = arith.addf %add3A_302, %get3A_305 : vector<16xf32>
      %mul3A_307 = arith.constant 3.125000e-02 : f32
      %mul3A_308 = vector.broadcast %mul3A_307 : f32 to vector<16xf32>
      %mul3A_309 = arith.mulf %add3A_306, %mul3A_308 : vector<16xf32>
      %swap3A_310 = arith.constant 16 : index
      %swap3A_311 = tpu.vector_load %arg11[%swap3A_310] {strides = array<i32>} : memref<112xf32, #tpu.memory_space<vmem>>, vector<16xf32>,
      %swap3A_312 = vector.shape_cast %swap3A_311 : vector<16xf32> to vector<16xf32>
      %swap3A_313 = vector.shape_cast %mul3A_309 : vector<16xf32> to vector<16xf32>
      tpu.vector_store %arg11[%swap3A_310], %swap3A_313 {strides = array<i32>} : memref<112xf32, #tpu.memory_space<vmem>>, vector<16xf32>,
      %get3A_314 = arith.constant 32 : index
      %get3A_315 = tpu.vector_load %arg10[%get3A_314] {strides = array<i32>} : memref<3584xf32, #tpu.memory_space<vmem>>, vector<16xf32>,
      %get3A_316 = vector.shape_cast %get3A_315 : vector<16xf32> to vector<16xf32>
      %get3A_317 = arith.constant 144 : index
      %get3A_318 = tpu.vector_load %arg10[%get3A_317] {strides = array<i32>} : memref<3584xf32, #tpu.memory_space<vmem>>, vector<16xf32>,
      %get3A_319 = vector.shape_cast %get3A_318 : vector<16xf32> to vector<16xf32>
      %add3A_320 = arith.addf %get3A_316, %get3A_319 : vector<16xf32>
      %get3A_321 = arith.constant 256 : index
      %get3A_322 = tpu.vector_load %arg10[%get3A_321] {strides = array<i32>} : memref<3584xf32, #tpu.memory_space<vmem>>, vector<16xf32>,
      %get3A_323 = vector.shape_cast %get3A_322 : vector<16xf32> to vector<16xf32>
      %add3A_324 = arith.addf %add3A_320, %get3A_323 : vector<16xf32>
      %get3A_325 = arith.constant 368 : index
      %get3A_326 = tpu.vector_load %arg10[%get3A_325] {strides = array<i32>} : memref<3584xf32, #tpu.memory_space<vmem>>, vector<16xf32>,
      %get3A_327 = vector.shape_cast %get3A_326 : vector<16xf32> to vector<16xf32>
      %add3A_328 = arith.addf %add3A_324, %get3A_327 : vector<16xf32>
      %get3A_329 = arith.constant 480 : index
      %get3A_330 = tpu.vector_load %arg10[%get3A_329] {strides = array<i32>} : memref<3584xf32, #tpu.memory_space<vmem>>, vector<16xf32>,
      %get3A_331 = vector.shape_cast %get3A_330 : vector<16xf32> to vector<16xf32>
      %add3A_332 = arith.addf %add3A_328, %get3A_331 : vector<16xf32>
      %get3A_333 = arith.constant 592 : index
      %get3A_334 = tpu.vector_load %arg10[%get3A_333] {strides = array<i32>} : memref<3584xf32, #tpu.memory_space<vmem>>, vector<16xf32>,
      %get3A_335 = vector.shape_cast %get3A_334 : vector<16xf32> to vector<16xf32>
      %add3A_336 = arith.addf %add3A_332, %get3A_335 : vector<16xf32>
      %get3A_337 = arith.constant 704 : index
      %get3A_338 = tpu.vector_load %arg10[%get3A_337] {strides = array<i32>} : memref<3584xf32, #tpu.memory_space<vmem>>, vector<16xf32>,
      %get3A_339 = vector.shape_cast %get3A_338 : vector<16xf32> to vector<16xf32>
      %add3A_340 = arith.addf %add3A_336, %get3A_339 : vector<16xf32>
      %get3A_341 = arith.constant 816 : index
      %get3A_342 = tpu.vector_load %arg10[%get3A_341] {strides = array<i32>} : memref<3584xf32, #tpu.memory_space<vmem>>, vector<16xf32>,
      %get3A_343 = vector.shape_cast %get3A_342 : vector<16xf32> to vector<16xf32>
      %add3A_344 = arith.addf %add3A_340, %get3A_343 : vector<16xf32>
      %get3A_345 = arith.constant 928 : index
      %get3A_346 = tpu.vector_load %arg10[%get3A_345] {strides = array<i32>} : memref<3584xf32, #tpu.memory_space<vmem>>, vector<16xf32>,
      %get3A_347 = vector.shape_cast %get3A_346 : vector<16xf32> to vector<16xf32>
      %add3A_348 = arith.addf %add3A_344, %get3A_347 : vector<16xf32>
      %get3A_349 = arith.constant 1040 : index
      %get3A_350 = tpu.vector_load %arg10[%get3A_349] {strides = array<i32>} : memref<3584xf32, #tpu.memory_space<vmem>>, vector<16xf32>,
      %get3A_351 = vector.shape_cast %get3A_350 : vector<16xf32> to vector<16xf32>
      %add3A_352 = arith.addf %add3A_348, %get3A_351 : vector<16xf32>
      %get3A_353 = arith.constant 1152 : index
      %get3A_354 = tpu.vector_load %arg10[%get3A_353] {strides = array<i32>} : memref<3584xf32, #tpu.memory_space<vmem>>, vector<16xf32>,
      %get3A_355 = vector.shape_cast %get3A_354 : vector<16xf32> to vector<16xf32>
      %add3A_356 = arith.addf %add3A_352, %get3A_355 : vector<16xf32>
      %get3A_357 = arith.constant 1264 : index
      %get3A_358 = tpu.vector_load %arg10[%get3A_357] {strides = array<i32>} : memref<3584xf32, #tpu.memory_space<vmem>>, vector<16xf32>,
      %get3A_359 = vector.shape_cast %get3A_358 : vector<16xf32> to vector<16xf32>
      %add3A_360 = arith.addf %add3A_356, %get3A_359 : vector<16xf32>
      %get3A_361 = arith.constant 1376 : index
      %get3A_362 = tpu.vector_load %arg10[%get3A_361] {strides = array<i32>} : memref<3584xf32, #tpu.memory_space<vmem>>, vector<16xf32>,
      %get3A_363 = vector.shape_cast %get3A_362 : vector<16xf32> to vector<16xf32>
      %add3A_364 = arith.addf %add3A_360, %get3A_363 : vector<16xf32>
      %get3A_365 = arith.constant 1488 : index
      %get3A_366 = tpu.vector_load %arg10[%get3A_365] {strides = array<i32>} : memref<3584xf32, #tpu.memory_space<vmem>>, vector<16xf32>,
      %get3A_367 = vector.shape_cast %get3A_366 : vector<16xf32> to vector<16xf32>
      %add3A_368 = arith.addf %add3A_364, %get3A_367 : vector<16xf32>
      %get3A_369 = arith.constant 1600 : index
      %get3A_370 = tpu.vector_load %arg10[%get3A_369] {strides = array<i32>} : memref<3584xf32, #tpu.memory_space<vmem>>, vector<16xf32>,
      %get3A_371 = vector.shape_cast %get3A_370 : vector<16xf32> to vector<16xf32>
      %add3A_372 = arith.addf %add3A_368, %get3A_371 : vector<16xf32>
      %get3A_373 = arith.constant 1712 : index
      %get3A_374 = tpu.vector_load %arg10[%get3A_373] {strides = array<i32>} : memref<3584xf32, #tpu.memory_space<vmem>>, vector<16xf32>,
      %get3A_375 = vector.shape_cast %get3A_374 : vector<16xf32> to vector<16xf32>
      %add3A_376 = arith.addf %add3A_372, %get3A_375 : vector<16xf32>
      %get3A_377 = arith.constant 1824 : index
      %get3A_378 = tpu.vector_load %arg10[%get3A_377] {strides = array<i32>} : memref<3584xf32, #tpu.memory_space<vmem>>, vector<16xf32>,
      %get3A_379 = vector.shape_cast %get3A_378 : vector<16xf32> to vector<16xf32>
      %add3A_380 = arith.addf %add3A_376, %get3A_379 : vector<16xf32>
      %get3A_381 = arith.constant 1936 : index
      %get3A_382 = tpu.vector_load %arg10[%get3A_381] {strides = array<i32>} : memref<3584xf32, #tpu.memory_space<vmem>>, vector<16xf32>,
      %get3A_383 = vector.shape_cast %get3A_382 : vector<16xf32> to vector<16xf32>
      %add3A_384 = arith.addf %add3A_380, %get3A_383 : vector<16xf32>
      %get3A_385 = arith.constant 2048 : index
      %get3A_386 = tpu.vector_load %arg10[%get3A_385] {strides = array<i32>} : memref<3584xf32, #tpu.memory_space<vmem>>, vector<16xf32>,
      %get3A_387 = vector.shape_cast %get3A_386 : vector<16xf32> to vector<16xf32>
      %add3A_388 = arith.addf %add3A_384, %get3A_387 : vector<16xf32>
      %get3A_389 = arith.constant 2160 : index
      %get3A_390 = tpu.vector_load %arg10[%get3A_389] {strides = array<i32>} : memref<3584xf32, #tpu.memory_space<vmem>>, vector<16xf32>,
      %get3A_391 = vector.shape_cast %get3A_390 : vector<16xf32> to vector<16xf32>
      %add3A_392 = arith.addf %add3A_388, %get3A_391 : vector<16xf32>
      %get3A_393 = arith.constant 2272 : index
      %get3A_394 = tpu.vector_load %arg10[%get3A_393] {strides = array<i32>} : memref<3584xf32, #tpu.memory_space<vmem>>, vector<16xf32>,
      %get3A_395 = vector.shape_cast %get3A_394 : vector<16xf32> to vector<16xf32>
      %add3A_396 = arith.addf %add3A_392, %get3A_395 : vector<16xf32>
      %get3A_397 = arith.constant 2384 : index
      %get3A_398 = tpu.vector_load %arg10[%get3A_397] {strides = array<i32>} : memref<3584xf32, #tpu.memory_space<vmem>>, vector<16xf32>,
      %get3A_399 = vector.shape_cast %get3A_398 : vector<16xf32> to vector<16xf32>
      %add3A_400 = arith.addf %add3A_396, %get3A_399 : vector<16xf32>
      %get3A_401 = arith.constant 2496 : index
      %get3A_402 = tpu.vector_load %arg10[%get3A_401] {strides = array<i32>} : memref<3584xf32, #tpu.memory_space<vmem>>, vector<16xf32>,
      %get3A_403 = vector.shape_cast %get3A_402 : vector<16xf32> to vector<16xf32>
      %add3A_404 = arith.addf %add3A_400, %get3A_403 : vector<16xf32>
      %get3A_405 = arith.constant 2608 : index
      %get3A_406 = tpu.vector_load %arg10[%get3A_405] {strides = array<i32>} : memref<3584xf32, #tpu.memory_space<vmem>>, vector<16xf32>,
      %get3A_407 = vector.shape_cast %get3A_406 : vector<16xf32> to vector<16xf32>
      %add3A_408 = arith.addf %add3A_404, %get3A_407 : vector<16xf32>
      %get3A_409 = arith.constant 2720 : index
      %get3A_410 = tpu.vector_load %arg10[%get3A_409] {strides = array<i32>} : memref<3584xf32, #tpu.memory_space<vmem>>, vector<16xf32>,
      %get3A_411 = vector.shape_cast %get3A_410 : vector<16xf32> to vector<16xf32>
      %add3A_412 = arith.addf %add3A_408, %get3A_411 : vector<16xf32>
      %get3A_413 = arith.constant 2832 : index
      %get3A_414 = tpu.vector_load %arg10[%get3A_413] {strides = array<i32>} : memref<3584xf32, #tpu.memory_space<vmem>>, vector<16xf32>,
      %get3A_415 = vector.shape_cast %get3A_414 : vector<16xf32> to vector<16xf32>
      %add3A_416 = arith.addf %add3A_412, %get3A_415 : vector<16xf32>
      %get3A_417 = arith.constant 2944 : index
      %get3A_418 = tpu.vector_load %arg10[%get3A_417] {strides = array<i32>} : memref<3584xf32, #tpu.memory_space<vmem>>, vector<16xf32>,
      %get3A_419 = vector.shape_cast %get3A_418 : vector<16xf32> to vector<16xf32>
      %add3A_420 = arith.addf %add3A_416, %get3A_419 : vector<16xf32>
      %get3A_421 = arith.constant 3056 : index
      %get3A_422 = tpu.vector_load %arg10[%get3A_421] {strides = array<i32>} : memref<3584xf32, #tpu.memory_space<vmem>>, vector<16xf32>,
      %get3A_423 = vector.shape_cast %get3A_422 : vector<16xf32> to vector<16xf32>
      %add3A_424 = arith.addf %add3A_420, %get3A_423 : vector<16xf32>
      %get3A_425 = arith.constant 3168 : index
      %get3A_426 = tpu.vector_load %arg10[%get3A_425] {strides = array<i32>} : memref<3584xf32, #tpu.memory_space<vmem>>, vector<16xf32>,
      %get3A_427 = vector.shape_cast %get3A_426 : vector<16xf32> to vector<16xf32>
      %add3A_428 = arith.addf %add3A_424, %get3A_427 : vector<16xf32>
      %get3A_429 = arith.constant 3280 : index
      %get3A_430 = tpu.vector_load %arg10[%get3A_429] {strides = array<i32>} : memref<3584xf32, #tpu.memory_space<vmem>>, vector<16xf32>,
      %get3A_431 = vector.shape_cast %get3A_430 : vector<16xf32> to vector<16xf32>
      %add3A_432 = arith.addf %add3A_428, %get3A_431 : vector<16xf32>
      %get3A_433 = arith.constant 3392 : index
      %get3A_434 = tpu.vector_load %arg10[%get3A_433] {strides = array<i32>} : memref<3584xf32, #tpu.memory_space<vmem>>, vector<16xf32>,
      %get3A_435 = vector.shape_cast %get3A_434 : vector<16xf32> to vector<16xf32>
      %add3A_436 = arith.addf %add3A_432, %get3A_435 : vector<16xf32>
      %get3A_437 = arith.constant 3504 : index
      %get3A_438 = tpu.vector_load %arg10[%get3A_437] {strides = array<i32>} : memref<3584xf32, #tpu.memory_space<vmem>>, vector<16xf32>,
      %get3A_439 = vector.shape_cast %get3A_438 : vector<16xf32> to vector<16xf32>
      %add3A_440 = arith.addf %add3A_436, %get3A_439 : vector<16xf32>
      %mul3A_441 = arith.constant 3.125000e-02 : f32
      %mul3A_442 = vector.broadcast %mul3A_441 : f32 to vector<16xf32>
      %mul3A_443 = arith.mulf %add3A_440, %mul3A_442 : vector<16xf32>
      %swap3A_444 = arith.constant 32 : index
      %swap3A_445 = tpu.vector_load %arg11[%swap3A_444] {strides = array<i32>} : memref<112xf32, #tpu.memory_space<vmem>>, vector<16xf32>,
      %swap3A_446 = vector.shape_cast %swap3A_445 : vector<16xf32> to vector<16xf32>
      %swap3A_447 = vector.shape_cast %mul3A_443 : vector<16xf32> to vector<16xf32>
      tpu.vector_store %arg11[%swap3A_444], %swap3A_447 {strides = array<i32>} : memref<112xf32, #tpu.memory_space<vmem>>, vector<16xf32>,
      %get3A_448 = arith.constant 48 : index
      %get3A_449 = tpu.vector_load %arg10[%get3A_448] {strides = array<i32>} : memref<3584xf32, #tpu.memory_space<vmem>>, vector<16xf32>,
      %get3A_450 = vector.shape_cast %get3A_449 : vector<16xf32> to vector<16xf32>
      %get3A_451 = arith.constant 160 : index
      %get3A_452 = tpu.vector_load %arg10[%get3A_451] {strides = array<i32>} : memref<3584xf32, #tpu.memory_space<vmem>>, vector<16xf32>,
      %get3A_453 = vector.shape_cast %get3A_452 : vector<16xf32> to vector<16xf32>
      %add3A_454 = arith.addf %get3A_450, %get3A_453 : vector<16xf32>
      %get3A_455 = arith.constant 272 : index
      %get3A_456 = tpu.vector_load %arg10[%get3A_455] {strides = array<i32>} : memref<3584xf32, #tpu.memory_space<vmem>>, vector<16xf32>,
      %get3A_457 = vector.shape_cast %get3A_456 : vector<16xf32> to vector<16xf32>
      %add3A_458 = arith.addf %add3A_454, %get3A_457 : vector<16xf32>
      %get3A_459 = arith.constant 384 : index
      %get3A_460 = tpu.vector_load %arg10[%get3A_459] {strides = array<i32>} : memref<3584xf32, #tpu.memory_space<vmem>>, vector<16xf32>,
      %get3A_461 = vector.shape_cast %get3A_460 : vector<16xf32> to vector<16xf32>
      %add3A_462 = arith.addf %add3A_458, %get3A_461 : vector<16xf32>
      %get3A_463 = arith.constant 496 : index
      %get3A_464 = tpu.vector_load %arg10[%get3A_463] {strides = array<i32>} : memref<3584xf32, #tpu.memory_space<vmem>>, vector<16xf32>,
      %get3A_465 = vector.shape_cast %get3A_464 : vector<16xf32> to vector<16xf32>
      %add3A_466 = arith.addf %add3A_462, %get3A_465 : vector<16xf32>
      %get3A_467 = arith.constant 608 : index
      %get3A_468 = tpu.vector_load %arg10[%get3A_467] {strides = array<i32>} : memref<3584xf32, #tpu.memory_space<vmem>>, vector<16xf32>,
      %get3A_469 = vector.shape_cast %get3A_468 : vector<16xf32> to vector<16xf32>
      %add3A_470 = arith.addf %add3A_466, %get3A_469 : vector<16xf32>
      %get3A_471 = arith.constant 720 : index
      %get3A_472 = tpu.vector_load %arg10[%get3A_471] {strides = array<i32>} : memref<3584xf32, #tpu.memory_space<vmem>>, vector<16xf32>,
      %get3A_473 = vector.shape_cast %get3A_472 : vector<16xf32> to vector<16xf32>
      %add3A_474 = arith.addf %add3A_470, %get3A_473 : vector<16xf32>
      %get3A_475 = arith.constant 832 : index
      %get3A_476 = tpu.vector_load %arg10[%get3A_475] {strides = array<i32>} : memref<3584xf32, #tpu.memory_space<vmem>>, vector<16xf32>,
      %get3A_477 = vector.shape_cast %get3A_476 : vector<16xf32> to vector<16xf32>
      %add3A_478 = arith.addf %add3A_474, %get3A_477 : vector<16xf32>
      %get3A_479 = arith.constant 944 : index
      %get3A_480 = tpu.vector_load %arg10[%get3A_479] {strides = array<i32>} : memref<3584xf32, #tpu.memory_space<vmem>>, vector<16xf32>,
      %get3A_481 = vector.shape_cast %get3A_480 : vector<16xf32> to vector<16xf32>
      %add3A_482 = arith.addf %add3A_478, %get3A_481 : vector<16xf32>
      %get3A_483 = arith.constant 1056 : index
      %get3A_484 = tpu.vector_load %arg10[%get3A_483] {strides = array<i32>} : memref<3584xf32, #tpu.memory_space<vmem>>, vector<16xf32>,
      %get3A_485 = vector.shape_cast %get3A_484 : vector<16xf32> to vector<16xf32>
      %add3A_486 = arith.addf %add3A_482, %get3A_485 : vector<16xf32>
      %get3A_487 = arith.constant 1168 : index
      %get3A_488 = tpu.vector_load %arg10[%get3A_487] {strides = array<i32>} : memref<3584xf32, #tpu.memory_space<vmem>>, vector<16xf32>,
      %get3A_489 = vector.shape_cast %get3A_488 : vector<16xf32> to vector<16xf32>
      %add3A_490 = arith.addf %add3A_486, %get3A_489 : vector<16xf32>
      %get3A_491 = arith.constant 1280 : index
      %get3A_492 = tpu.vector_load %arg10[%get3A_491] {strides = array<i32>} : memref<3584xf32, #tpu.memory_space<vmem>>, vector<16xf32>,
      %get3A_493 = vector.shape_cast %get3A_492 : vector<16xf32> to vector<16xf32>
      %add3A_494 = arith.addf %add3A_490, %get3A_493 : vector<16xf32>
      %get3A_495 = arith.constant 1392 : index
      %get3A_496 = tpu.vector_load %arg10[%get3A_495] {strides = array<i32>} : memref<3584xf32, #tpu.memory_space<vmem>>, vector<16xf32>,
      %get3A_497 = vector.shape_cast %get3A_496 : vector<16xf32> to vector<16xf32>
      %add3A_498 = arith.addf %add3A_494, %get3A_497 : vector<16xf32>
      %get3A_499 = arith.constant 1504 : index
      %get3A_500 = tpu.vector_load %arg10[%get3A_499] {strides = array<i32>} : memref<3584xf32, #tpu.memory_space<vmem>>, vector<16xf32>,
      %get3A_501 = vector.shape_cast %get3A_500 : vector<16xf32> to vector<16xf32>
      %add3A_502 = arith.addf %add3A_498, %get3A_501 : vector<16xf32>
      %get3A_503 = arith.constant 1616 : index
      %get3A_504 = tpu.vector_load %arg10[%get3A_503] {strides = array<i32>} : memref<3584xf32, #tpu.memory_space<vmem>>, vector<16xf32>,
      %get3A_505 = vector.shape_cast %get3A_504 : vector<16xf32> to vector<16xf32>
      %add3A_506 = arith.addf %add3A_502, %get3A_505 : vector<16xf32>
      %get3A_507 = arith.constant 1728 : index
      %get3A_508 = tpu.vector_load %arg10[%get3A_507] {strides = array<i32>} : memref<3584xf32, #tpu.memory_space<vmem>>, vector<16xf32>,
      %get3A_509 = vector.shape_cast %get3A_508 : vector<16xf32> to vector<16xf32>
      %add3A_510 = arith.addf %add3A_506, %get3A_509 : vector<16xf32>
      %get3A_511 = arith.constant 1840 : index
      %get3A_512 = tpu.vector_load %arg10[%get3A_511] {strides = array<i32>} : memref<3584xf32, #tpu.memory_space<vmem>>, vector<16xf32>,
      %get3A_513 = vector.shape_cast %get3A_512 : vector<16xf32> to vector<16xf32>
      %add3A_514 = arith.addf %add3A_510, %get3A_513 : vector<16xf32>
      %get3A_515 = arith.constant 1952 : index
      %get3A_516 = tpu.vector_load %arg10[%get3A_515] {strides = array<i32>} : memref<3584xf32, #tpu.memory_space<vmem>>, vector<16xf32>,
      %get3A_517 = vector.shape_cast %get3A_516 : vector<16xf32> to vector<16xf32>
      %add3A_518 = arith.addf %add3A_514, %get3A_517 : vector<16xf32>
      %get3A_519 = arith.constant 2064 : index
      %get3A_520 = tpu.vector_load %arg10[%get3A_519] {strides = array<i32>} : memref<3584xf32, #tpu.memory_space<vmem>>, vector<16xf32>,
      %get3A_521 = vector.shape_cast %get3A_520 : vector<16xf32> to vector<16xf32>
      %add3A_522 = arith.addf %add3A_518, %get3A_521 : vector<16xf32>
      %get3A_523 = arith.constant 2176 : index
      %get3A_524 = tpu.vector_load %arg10[%get3A_523] {strides = array<i32>} : memref<3584xf32, #tpu.memory_space<vmem>>, vector<16xf32>,
      %get3A_525 = vector.shape_cast %get3A_524 : vector<16xf32> to vector<16xf32>
      %add3A_526 = arith.addf %add3A_522, %get3A_525 : vector<16xf32>
      %get3A_527 = arith.constant 2288 : index
      %get3A_528 = tpu.vector_load %arg10[%get3A_527] {strides = array<i32>} : memref<3584xf32, #tpu.memory_space<vmem>>, vector<16xf32>,
      %get3A_529 = vector.shape_cast %get3A_528 : vector<16xf32> to vector<16xf32>
      %add3A_530 = arith.addf %add3A_526, %get3A_529 : vector<16xf32>
      %get3A_531 = arith.constant 2400 : index
      %get3A_532 = tpu.vector_load %arg10[%get3A_531] {strides = array<i32>} : memref<3584xf32, #tpu.memory_space<vmem>>, vector<16xf32>,
      %get3A_533 = vector.shape_cast %get3A_532 : vector<16xf32> to vector<16xf32>
      %add3A_534 = arith.addf %add3A_530, %get3A_533 : vector<16xf32>
      %get3A_535 = arith.constant 2512 : index
      %get3A_536 = tpu.vector_load %arg10[%get3A_535] {strides = array<i32>} : memref<3584xf32, #tpu.memory_space<vmem>>, vector<16xf32>,
      %get3A_537 = vector.shape_cast %get3A_536 : vector<16xf32> to vector<16xf32>
      %add3A_538 = arith.addf %add3A_534, %get3A_537 : vector<16xf32>
      %get3A_539 = arith.constant 2624 : index
      %get3A_540 = tpu.vector_load %arg10[%get3A_539] {strides = array<i32>} : memref<3584xf32, #tpu.memory_space<vmem>>, vector<16xf32>,
      %get3A_541 = vector.shape_cast %get3A_540 : vector<16xf32> to vector<16xf32>
      %add3A_542 = arith.addf %add3A_538, %get3A_541 : vector<16xf32>
      %get3A_543 = arith.constant 2736 : index
      %get3A_544 = tpu.vector_load %arg10[%get3A_543] {strides = array<i32>} : memref<3584xf32, #tpu.memory_space<vmem>>, vector<16xf32>,
      %get3A_545 = vector.shape_cast %get3A_544 : vector<16xf32> to vector<16xf32>
      %add3A_546 = arith.addf %add3A_542, %get3A_545 : vector<16xf32>
      %get3A_547 = arith.constant 2848 : index
      %get3A_548 = tpu.vector_load %arg10[%get3A_547] {strides = array<i32>} : memref<3584xf32, #tpu.memory_space<vmem>>, vector<16xf32>,
      %get3A_549 = vector.shape_cast %get3A_548 : vector<16xf32> to vector<16xf32>
      %add3A_550 = arith.addf %add3A_546, %get3A_549 : vector<16xf32>
      %get3A_551 = arith.constant 2960 : index
      %get3A_552 = tpu.vector_load %arg10[%get3A_551] {strides = array<i32>} : memref<3584xf32, #tpu.memory_space<vmem>>, vector<16xf32>,
      %get3A_553 = vector.shape_cast %get3A_552 : vector<16xf32> to vector<16xf32>
      %add3A_554 = arith.addf %add3A_550, %get3A_553 : vector<16xf32>
      %get3A_555 = arith.constant 3072 : index
      %get3A_556 = tpu.vector_load %arg10[%get3A_555] {strides = array<i32>} : memref<3584xf32, #tpu.memory_space<vmem>>, vector<16xf32>,
      %get3A_557 = vector.shape_cast %get3A_556 : vector<16xf32> to vector<16xf32>
      %add3A_558 = arith.addf %add3A_554, %get3A_557 : vector<16xf32>
      %get3A_559 = arith.constant 3184 : index
      %get3A_560 = tpu.vector_load %arg10[%get3A_559] {strides = array<i32>} : memref<3584xf32, #tpu.memory_space<vmem>>, vector<16xf32>,
      %get3A_561 = vector.shape_cast %get3A_560 : vector<16xf32> to vector<16xf32>
      %add3A_562 = arith.addf %add3A_558, %get3A_561 : vector<16xf32>
      %get3A_563 = arith.constant 3296 : index
      %get3A_564 = tpu.vector_load %arg10[%get3A_563] {strides = array<i32>} : memref<3584xf32, #tpu.memory_space<vmem>>, vector<16xf32>,
      %get3A_565 = vector.shape_cast %get3A_564 : vector<16xf32> to vector<16xf32>
      %add3A_566 = arith.addf %add3A_562, %get3A_565 : vector<16xf32>
      %get3A_567 = arith.constant 3408 : index
      %get3A_568 = tpu.vector_load %arg10[%get3A_567] {strides = array<i32>} : memref<3584xf32, #tpu.memory_space<vmem>>, vector<16xf32>,
      %get3A_569 = vector.shape_cast %get3A_568 : vector<16xf32> to vector<16xf32>
      %add3A_570 = arith.addf %add3A_566, %get3A_569 : vector<16xf32>
      %get3A_571 = arith.constant 3520 : index
      %get3A_572 = tpu.vector_load %arg10[%get3A_571] {strides = array<i32>} : memref<3584xf32, #tpu.memory_space<vmem>>, vector<16xf32>,
      %get3A_573 = vector.shape_cast %get3A_572 : vector<16xf32> to vector<16xf32>
      %add3A_574 = arith.addf %add3A_570, %get3A_573 : vector<16xf32>
      %mul3A_575 = arith.constant 3.125000e-02 : f32
      %mul3A_576 = vector.broadcast %mul3A_575 : f32 to vector<16xf32>
      %mul3A_577 = arith.mulf %add3A_574, %mul3A_576 : vector<16xf32>
      %swap3A_578 = arith.constant 48 : index
      %swap3A_579 = tpu.vector_load %arg11[%swap3A_578] {strides = array<i32>} : memref<112xf32, #tpu.memory_space<vmem>>, vector<16xf32>,
      %swap3A_580 = vector.shape_cast %swap3A_579 : vector<16xf32> to vector<16xf32>
      %swap3A_581 = vector.shape_cast %mul3A_577 : vector<16xf32> to vector<16xf32>
      tpu.vector_store %arg11[%swap3A_578], %swap3A_581 {strides = array<i32>} : memref<112xf32, #tpu.memory_space<vmem>>, vector<16xf32>,
      %get3A_582 = arith.constant 64 : index
      %get3A_583 = tpu.vector_load %arg10[%get3A_582] {strides = array<i32>} : memref<3584xf32, #tpu.memory_space<vmem>>, vector<16xf32>,
      %get3A_584 = vector.shape_cast %get3A_583 : vector<16xf32> to vector<16xf32>
      %get3A_585 = arith.constant 176 : index
      %get3A_586 = tpu.vector_load %arg10[%get3A_585] {strides = array<i32>} : memref<3584xf32, #tpu.memory_space<vmem>>, vector<16xf32>,
      %get3A_587 = vector.shape_cast %get3A_586 : vector<16xf32> to vector<16xf32>
      %add3A_588 = arith.addf %get3A_584, %get3A_587 : vector<16xf32>
      %get3A_589 = arith.constant 288 : index
      %get3A_590 = tpu.vector_load %arg10[%get3A_589] {strides = array<i32>} : memref<3584xf32, #tpu.memory_space<vmem>>, vector<16xf32>,
      %get3A_591 = vector.shape_cast %get3A_590 : vector<16xf32> to vector<16xf32>
      %add3A_592 = arith.addf %add3A_588, %get3A_591 : vector<16xf32>
      %get3A_593 = arith.constant 400 : index
      %get3A_594 = tpu.vector_load %arg10[%get3A_593] {strides = array<i32>} : memref<3584xf32, #tpu.memory_space<vmem>>, vector<16xf32>,
      %get3A_595 = vector.shape_cast %get3A_594 : vector<16xf32> to vector<16xf32>
      %add3A_596 = arith.addf %add3A_592, %get3A_595 : vector<16xf32>
      %get3A_597 = arith.constant 512 : index
      %get3A_598 = tpu.vector_load %arg10[%get3A_597] {strides = array<i32>} : memref<3584xf32, #tpu.memory_space<vmem>>, vector<16xf32>,
      %get3A_599 = vector.shape_cast %get3A_598 : vector<16xf32> to vector<16xf32>
      %add3A_600 = arith.addf %add3A_596, %get3A_599 : vector<16xf32>
      %get3A_601 = arith.constant 624 : index
      %get3A_602 = tpu.vector_load %arg10[%get3A_601] {strides = array<i32>} : memref<3584xf32, #tpu.memory_space<vmem>>, vector<16xf32>,
      %get3A_603 = vector.shape_cast %get3A_602 : vector<16xf32> to vector<16xf32>
      %add3A_604 = arith.addf %add3A_600, %get3A_603 : vector<16xf32>
      %get3A_605 = arith.constant 736 : index
      %get3A_606 = tpu.vector_load %arg10[%get3A_605] {strides = array<i32>} : memref<3584xf32, #tpu.memory_space<vmem>>, vector<16xf32>,
      %get3A_607 = vector.shape_cast %get3A_606 : vector<16xf32> to vector<16xf32>
      %add3A_608 = arith.addf %add3A_604, %get3A_607 : vector<16xf32>
      %get3A_609 = arith.constant 848 : index
      %get3A_610 = tpu.vector_load %arg10[%get3A_609] {strides = array<i32>} : memref<3584xf32, #tpu.memory_space<vmem>>, vector<16xf32>,
      %get3A_611 = vector.shape_cast %get3A_610 : vector<16xf32> to vector<16xf32>
      %add3A_612 = arith.addf %add3A_608, %get3A_611 : vector<16xf32>
      %get3A_613 = arith.constant 960 : index
      %get3A_614 = tpu.vector_load %arg10[%get3A_613] {strides = array<i32>} : memref<3584xf32, #tpu.memory_space<vmem>>, vector<16xf32>,
      %get3A_615 = vector.shape_cast %get3A_614 : vector<16xf32> to vector<16xf32>
      %add3A_616 = arith.addf %add3A_612, %get3A_615 : vector<16xf32>
      %get3A_617 = arith.constant 1072 : index
      %get3A_618 = tpu.vector_load %arg10[%get3A_617] {strides = array<i32>} : memref<3584xf32, #tpu.memory_space<vmem>>, vector<16xf32>,
      %get3A_619 = vector.shape_cast %get3A_618 : vector<16xf32> to vector<16xf32>
      %add3A_620 = arith.addf %add3A_616, %get3A_619 : vector<16xf32>
      %get3A_621 = arith.constant 1184 : index
      %get3A_622 = tpu.vector_load %arg10[%get3A_621] {strides = array<i32>} : memref<3584xf32, #tpu.memory_space<vmem>>, vector<16xf32>,
      %get3A_623 = vector.shape_cast %get3A_622 : vector<16xf32> to vector<16xf32>
      %add3A_624 = arith.addf %add3A_620, %get3A_623 : vector<16xf32>
      %get3A_625 = arith.constant 1296 : index
      %get3A_626 = tpu.vector_load %arg10[%get3A_625] {strides = array<i32>} : memref<3584xf32, #tpu.memory_space<vmem>>, vector<16xf32>,
      %get3A_627 = vector.shape_cast %get3A_626 : vector<16xf32> to vector<16xf32>
      %add3A_628 = arith.addf %add3A_624, %get3A_627 : vector<16xf32>
      %get3A_629 = arith.constant 1408 : index
      %get3A_630 = tpu.vector_load %arg10[%get3A_629] {strides = array<i32>} : memref<3584xf32, #tpu.memory_space<vmem>>, vector<16xf32>,
      %get3A_631 = vector.shape_cast %get3A_630 : vector<16xf32> to vector<16xf32>
      %add3A_632 = arith.addf %add3A_628, %get3A_631 : vector<16xf32>
      %get3A_633 = arith.constant 1520 : index
      %get3A_634 = tpu.vector_load %arg10[%get3A_633] {strides = array<i32>} : memref<3584xf32, #tpu.memory_space<vmem>>, vector<16xf32>,
      %get3A_635 = vector.shape_cast %get3A_634 : vector<16xf32> to vector<16xf32>
      %add3A_636 = arith.addf %add3A_632, %get3A_635 : vector<16xf32>
      %get3A_637 = arith.constant 1632 : index
      %get3A_638 = tpu.vector_load %arg10[%get3A_637] {strides = array<i32>} : memref<3584xf32, #tpu.memory_space<vmem>>, vector<16xf32>,
      %get3A_639 = vector.shape_cast %get3A_638 : vector<16xf32> to vector<16xf32>
      %add3A_640 = arith.addf %add3A_636, %get3A_639 : vector<16xf32>
      %get3A_641 = arith.constant 1744 : index
      %get3A_642 = tpu.vector_load %arg10[%get3A_641] {strides = array<i32>} : memref<3584xf32, #tpu.memory_space<vmem>>, vector<16xf32>,
      %get3A_643 = vector.shape_cast %get3A_642 : vector<16xf32> to vector<16xf32>
      %add3A_644 = arith.addf %add3A_640, %get3A_643 : vector<16xf32>
      %get3A_645 = arith.constant 1856 : index
      %get3A_646 = tpu.vector_load %arg10[%get3A_645] {strides = array<i32>} : memref<3584xf32, #tpu.memory_space<vmem>>, vector<16xf32>,
      %get3A_647 = vector.shape_cast %get3A_646 : vector<16xf32> to vector<16xf32>
      %add3A_648 = arith.addf %add3A_644, %get3A_647 : vector<16xf32>
      %get3A_649 = arith.constant 1968 : index
      %get3A_650 = tpu.vector_load %arg10[%get3A_649] {strides = array<i32>} : memref<3584xf32, #tpu.memory_space<vmem>>, vector<16xf32>,
      %get3A_651 = vector.shape_cast %get3A_650 : vector<16xf32> to vector<16xf32>
      %add3A_652 = arith.addf %add3A_648, %get3A_651 : vector<16xf32>
      %get3A_653 = arith.constant 2080 : index
      %get3A_654 = tpu.vector_load %arg10[%get3A_653] {strides = array<i32>} : memref<3584xf32, #tpu.memory_space<vmem>>, vector<16xf32>,
      %get3A_655 = vector.shape_cast %get3A_654 : vector<16xf32> to vector<16xf32>
      %add3A_656 = arith.addf %add3A_652, %get3A_655 : vector<16xf32>
      %get3A_657 = arith.constant 2192 : index
      %get3A_658 = tpu.vector_load %arg10[%get3A_657] {strides = array<i32>} : memref<3584xf32, #tpu.memory_space<vmem>>, vector<16xf32>,
      %get3A_659 = vector.shape_cast %get3A_658 : vector<16xf32> to vector<16xf32>
      %add3A_660 = arith.addf %add3A_656, %get3A_659 : vector<16xf32>
      %get3A_661 = arith.constant 2304 : index
      %get3A_662 = tpu.vector_load %arg10[%get3A_661] {strides = array<i32>} : memref<3584xf32, #tpu.memory_space<vmem>>, vector<16xf32>,
      %get3A_663 = vector.shape_cast %get3A_662 : vector<16xf32> to vector<16xf32>
      %add3A_664 = arith.addf %add3A_660, %get3A_663 : vector<16xf32>
      %get3A_665 = arith.constant 2416 : index
      %get3A_666 = tpu.vector_load %arg10[%get3A_665] {strides = array<i32>} : memref<3584xf32, #tpu.memory_space<vmem>>, vector<16xf32>,
      %get3A_667 = vector.shape_cast %get3A_666 : vector<16xf32> to vector<16xf32>
      %add3A_668 = arith.addf %add3A_664, %get3A_667 : vector<16xf32>
      %get3A_669 = arith.constant 2528 : index
      %get3A_670 = tpu.vector_load %arg10[%get3A_669] {strides = array<i32>} : memref<3584xf32, #tpu.memory_space<vmem>>, vector<16xf32>,
      %get3A_671 = vector.shape_cast %get3A_670 : vector<16xf32> to vector<16xf32>
      %add3A_672 = arith.addf %add3A_668, %get3A_671 : vector<16xf32>
      %get3A_673 = arith.constant 2640 : index
      %get3A_674 = tpu.vector_load %arg10[%get3A_673] {strides = array<i32>} : memref<3584xf32, #tpu.memory_space<vmem>>, vector<16xf32>,
      %get3A_675 = vector.shape_cast %get3A_674 : vector<16xf32> to vector<16xf32>
      %add3A_676 = arith.addf %add3A_672, %get3A_675 : vector<16xf32>
      %get3A_677 = arith.constant 2752 : index
      %get3A_678 = tpu.vector_load %arg10[%get3A_677] {strides = array<i32>} : memref<3584xf32, #tpu.memory_space<vmem>>, vector<16xf32>,
      %get3A_679 = vector.shape_cast %get3A_678 : vector<16xf32> to vector<16xf32>
      %add3A_680 = arith.addf %add3A_676, %get3A_679 : vector<16xf32>
      %get3A_681 = arith.constant 2864 : index
      %get3A_682 = tpu.vector_load %arg10[%get3A_681] {strides = array<i32>} : memref<3584xf32, #tpu.memory_space<vmem>>, vector<16xf32>,
      %get3A_683 = vector.shape_cast %get3A_682 : vector<16xf32> to vector<16xf32>
      %add3A_684 = arith.addf %add3A_680, %get3A_683 : vector<16xf32>
      %get3A_685 = arith.constant 2976 : index
      %get3A_686 = tpu.vector_load %arg10[%get3A_685] {strides = array<i32>} : memref<3584xf32, #tpu.memory_space<vmem>>, vector<16xf32>,
      %get3A_687 = vector.shape_cast %get3A_686 : vector<16xf32> to vector<16xf32>
      %add3A_688 = arith.addf %add3A_684, %get3A_687 : vector<16xf32>
      %get3A_689 = arith.constant 3088 : index
      %get3A_690 = tpu.vector_load %arg10[%get3A_689] {strides = array<i32>} : memref<3584xf32, #tpu.memory_space<vmem>>, vector<16xf32>,
      %get3A_691 = vector.shape_cast %get3A_690 : vector<16xf32> to vector<16xf32>
      %add3A_692 = arith.addf %add3A_688, %get3A_691 : vector<16xf32>
      %get3A_693 = arith.constant 3200 : index
      %get3A_694 = tpu.vector_load %arg10[%get3A_693] {strides = array<i32>} : memref<3584xf32, #tpu.memory_space<vmem>>, vector<16xf32>,
      %get3A_695 = vector.shape_cast %get3A_694 : vector<16xf32> to vector<16xf32>
      %add3A_696 = arith.addf %add3A_692, %get3A_695 : vector<16xf32>
      %get3A_697 = arith.constant 3312 : index
      %get3A_698 = tpu.vector_load %arg10[%get3A_697] {strides = array<i32>} : memref<3584xf32, #tpu.memory_space<vmem>>, vector<16xf32>,
      %get3A_699 = vector.shape_cast %get3A_698 : vector<16xf32> to vector<16xf32>
      %add3A_700 = arith.addf %add3A_696, %get3A_699 : vector<16xf32>
      %get3A_701 = arith.constant 3424 : index
      %get3A_702 = tpu.vector_load %arg10[%get3A_701] {strides = array<i32>} : memref<3584xf32, #tpu.memory_space<vmem>>, vector<16xf32>,
      %get3A_703 = vector.shape_cast %get3A_702 : vector<16xf32> to vector<16xf32>
      %add3A_704 = arith.addf %add3A_700, %get3A_703 : vector<16xf32>
      %get3A_705 = arith.constant 3536 : index
      %get3A_706 = tpu.vector_load %arg10[%get3A_705] {strides = array<i32>} : memref<3584xf32, #tpu.memory_space<vmem>>, vector<16xf32>,
      %get3A_707 = vector.shape_cast %get3A_706 : vector<16xf32> to vector<16xf32>
      %add3A_708 = arith.addf %add3A_704, %get3A_707 : vector<16xf32>
      %mul3A_709 = arith.constant 3.125000e-02 : f32
      %mul3A_710 = vector.broadcast %mul3A_709 : f32 to vector<16xf32>
      %mul3A_711 = arith.mulf %add3A_708, %mul3A_710 : vector<16xf32>
      %swap3A_712 = arith.constant 64 : index
      %swap3A_713 = tpu.vector_load %arg11[%swap3A_712] {strides = array<i32>} : memref<112xf32, #tpu.memory_space<vmem>>, vector<16xf32>,
      %swap3A_714 = vector.shape_cast %swap3A_713 : vector<16xf32> to vector<16xf32>
      %swap3A_715 = vector.shape_cast %mul3A_711 : vector<16xf32> to vector<16xf32>
      tpu.vector_store %arg11[%swap3A_712], %swap3A_715 {strides = array<i32>} : memref<112xf32, #tpu.memory_space<vmem>>, vector<16xf32>,
      %get3A_716 = arith.constant 80 : index
      %get3A_717 = tpu.vector_load %arg10[%get3A_716] {strides = array<i32>} : memref<3584xf32, #tpu.memory_space<vmem>>, vector<16xf32>,
      %get3A_718 = vector.shape_cast %get3A_717 : vector<16xf32> to vector<16xf32>
      %get3A_719 = arith.constant 192 : index
      %get3A_720 = tpu.vector_load %arg10[%get3A_719] {strides = array<i32>} : memref<3584xf32, #tpu.memory_space<vmem>>, vector<16xf32>,
      %get3A_721 = vector.shape_cast %get3A_720 : vector<16xf32> to vector<16xf32>
      %add3A_722 = arith.addf %get3A_718, %get3A_721 : vector<16xf32>
      %get3A_723 = arith.constant 304 : index
      %get3A_724 = tpu.vector_load %arg10[%get3A_723] {strides = array<i32>} : memref<3584xf32, #tpu.memory_space<vmem>>, vector<16xf32>,
      %get3A_725 = vector.shape_cast %get3A_724 : vector<16xf32> to vector<16xf32>
      %add3A_726 = arith.addf %add3A_722, %get3A_725 : vector<16xf32>
      %get3A_727 = arith.constant 416 : index
      %get3A_728 = tpu.vector_load %arg10[%get3A_727] {strides = array<i32>} : memref<3584xf32, #tpu.memory_space<vmem>>, vector<16xf32>,
      %get3A_729 = vector.shape_cast %get3A_728 : vector<16xf32> to vector<16xf32>
      %add3A_730 = arith.addf %add3A_726, %get3A_729 : vector<16xf32>
      %get3A_731 = arith.constant 528 : index
      %get3A_732 = tpu.vector_load %arg10[%get3A_731] {strides = array<i32>} : memref<3584xf32, #tpu.memory_space<vmem>>, vector<16xf32>,
      %get3A_733 = vector.shape_cast %get3A_732 : vector<16xf32> to vector<16xf32>
      %add3A_734 = arith.addf %add3A_730, %get3A_733 : vector<16xf32>
      %get3A_735 = arith.constant 640 : index
      %get3A_736 = tpu.vector_load %arg10[%get3A_735] {strides = array<i32>} : memref<3584xf32, #tpu.memory_space<vmem>>, vector<16xf32>,
      %get3A_737 = vector.shape_cast %get3A_736 : vector<16xf32> to vector<16xf32>
      %add3A_738 = arith.addf %add3A_734, %get3A_737 : vector<16xf32>
      %get3A_739 = arith.constant 752 : index
      %get3A_740 = tpu.vector_load %arg10[%get3A_739] {strides = array<i32>} : memref<3584xf32, #tpu.memory_space<vmem>>, vector<16xf32>,
      %get3A_741 = vector.shape_cast %get3A_740 : vector<16xf32> to vector<16xf32>
      %add3A_742 = arith.addf %add3A_738, %get3A_741 : vector<16xf32>
      %get3A_743 = arith.constant 864 : index
      %get3A_744 = tpu.vector_load %arg10[%get3A_743] {strides = array<i32>} : memref<3584xf32, #tpu.memory_space<vmem>>, vector<16xf32>,
      %get3A_745 = vector.shape_cast %get3A_744 : vector<16xf32> to vector<16xf32>
      %add3A_746 = arith.addf %add3A_742, %get3A_745 : vector<16xf32>
      %get3A_747 = arith.constant 976 : index
      %get3A_748 = tpu.vector_load %arg10[%get3A_747] {strides = array<i32>} : memref<3584xf32, #tpu.memory_space<vmem>>, vector<16xf32>,
      %get3A_749 = vector.shape_cast %get3A_748 : vector<16xf32> to vector<16xf32>
      %add3A_750 = arith.addf %add3A_746, %get3A_749 : vector<16xf32>
      %get3A_751 = arith.constant 1088 : index
      %get3A_752 = tpu.vector_load %arg10[%get3A_751] {strides = array<i32>} : memref<3584xf32, #tpu.memory_space<vmem>>, vector<16xf32>,
      %get3A_753 = vector.shape_cast %get3A_752 : vector<16xf32> to vector<16xf32>
      %add3A_754 = arith.addf %add3A_750, %get3A_753 : vector<16xf32>
      %get3A_755 = arith.constant 1200 : index
      %get3A_756 = tpu.vector_load %arg10[%get3A_755] {strides = array<i32>} : memref<3584xf32, #tpu.memory_space<vmem>>, vector<16xf32>,
      %get3A_757 = vector.shape_cast %get3A_756 : vector<16xf32> to vector<16xf32>
      %add3A_758 = arith.addf %add3A_754, %get3A_757 : vector<16xf32>
      %get3A_759 = arith.constant 1312 : index
      %get3A_760 = tpu.vector_load %arg10[%get3A_759] {strides = array<i32>} : memref<3584xf32, #tpu.memory_space<vmem>>, vector<16xf32>,
      %get3A_761 = vector.shape_cast %get3A_760 : vector<16xf32> to vector<16xf32>
      %add3A_762 = arith.addf %add3A_758, %get3A_761 : vector<16xf32>
      %get3A_763 = arith.constant 1424 : index
      %get3A_764 = tpu.vector_load %arg10[%get3A_763] {strides = array<i32>} : memref<3584xf32, #tpu.memory_space<vmem>>, vector<16xf32>,
      %get3A_765 = vector.shape_cast %get3A_764 : vector<16xf32> to vector<16xf32>
      %add3A_766 = arith.addf %add3A_762, %get3A_765 : vector<16xf32>
      %get3A_767 = arith.constant 1536 : index
      %get3A_768 = tpu.vector_load %arg10[%get3A_767] {strides = array<i32>} : memref<3584xf32, #tpu.memory_space<vmem>>, vector<16xf32>,
      %get3A_769 = vector.shape_cast %get3A_768 : vector<16xf32> to vector<16xf32>
      %add3A_770 = arith.addf %add3A_766, %get3A_769 : vector<16xf32>
      %get3A_771 = arith.constant 1648 : index
      %get3A_772 = tpu.vector_load %arg10[%get3A_771] {strides = array<i32>} : memref<3584xf32, #tpu.memory_space<vmem>>, vector<16xf32>,
      %get3A_773 = vector.shape_cast %get3A_772 : vector<16xf32> to vector<16xf32>
      %add3A_774 = arith.addf %add3A_770, %get3A_773 : vector<16xf32>
      %get3A_775 = arith.constant 1760 : index
      %get3A_776 = tpu.vector_load %arg10[%get3A_775] {strides = array<i32>} : memref<3584xf32, #tpu.memory_space<vmem>>, vector<16xf32>,
      %get3A_777 = vector.shape_cast %get3A_776 : vector<16xf32> to vector<16xf32>
      %add3A_778 = arith.addf %add3A_774, %get3A_777 : vector<16xf32>
      %get3A_779 = arith.constant 1872 : index
      %get3A_780 = tpu.vector_load %arg10[%get3A_779] {strides = array<i32>} : memref<3584xf32, #tpu.memory_space<vmem>>, vector<16xf32>,
      %get3A_781 = vector.shape_cast %get3A_780 : vector<16xf32> to vector<16xf32>
      %add3A_782 = arith.addf %add3A_778, %get3A_781 : vector<16xf32>
      %get3A_783 = arith.constant 1984 : index
      %get3A_784 = tpu.vector_load %arg10[%get3A_783] {strides = array<i32>} : memref<3584xf32, #tpu.memory_space<vmem>>, vector<16xf32>,
      %get3A_785 = vector.shape_cast %get3A_784 : vector<16xf32> to vector<16xf32>
      %add3A_786 = arith.addf %add3A_782, %get3A_785 : vector<16xf32>
      %get3A_787 = arith.constant 2096 : index
      %get3A_788 = tpu.vector_load %arg10[%get3A_787] {strides = array<i32>} : memref<3584xf32, #tpu.memory_space<vmem>>, vector<16xf32>,
      %get3A_789 = vector.shape_cast %get3A_788 : vector<16xf32> to vector<16xf32>
      %add3A_790 = arith.addf %add3A_786, %get3A_789 : vector<16xf32>
      %get3A_791 = arith.constant 2208 : index
      %get3A_792 = tpu.vector_load %arg10[%get3A_791] {strides = array<i32>} : memref<3584xf32, #tpu.memory_space<vmem>>, vector<16xf32>,
      %get3A_793 = vector.shape_cast %get3A_792 : vector<16xf32> to vector<16xf32>
      %add3A_794 = arith.addf %add3A_790, %get3A_793 : vector<16xf32>
      %get3A_795 = arith.constant 2320 : index
      %get3A_796 = tpu.vector_load %arg10[%get3A_795] {strides = array<i32>} : memref<3584xf32, #tpu.memory_space<vmem>>, vector<16xf32>,
      %get3A_797 = vector.shape_cast %get3A_796 : vector<16xf32> to vector<16xf32>
      %add3A_798 = arith.addf %add3A_794, %get3A_797 : vector<16xf32>
      %get3A_799 = arith.constant 2432 : index
      %get3A_800 = tpu.vector_load %arg10[%get3A_799] {strides = array<i32>} : memref<3584xf32, #tpu.memory_space<vmem>>, vector<16xf32>,
      %get3A_801 = vector.shape_cast %get3A_800 : vector<16xf32> to vector<16xf32>
      %add3A_802 = arith.addf %add3A_798, %get3A_801 : vector<16xf32>
      %get3A_803 = arith.constant 2544 : index
      %get3A_804 = tpu.vector_load %arg10[%get3A_803] {strides = array<i32>} : memref<3584xf32, #tpu.memory_space<vmem>>, vector<16xf32>,
      %get3A_805 = vector.shape_cast %get3A_804 : vector<16xf32> to vector<16xf32>
      %add3A_806 = arith.addf %add3A_802, %get3A_805 : vector<16xf32>
      %get3A_807 = arith.constant 2656 : index
      %get3A_808 = tpu.vector_load %arg10[%get3A_807] {strides = array<i32>} : memref<3584xf32, #tpu.memory_space<vmem>>, vector<16xf32>,
      %get3A_809 = vector.shape_cast %get3A_808 : vector<16xf32> to vector<16xf32>
      %add3A_810 = arith.addf %add3A_806, %get3A_809 : vector<16xf32>
      %get3A_811 = arith.constant 2768 : index
      %get3A_812 = tpu.vector_load %arg10[%get3A_811] {strides = array<i32>} : memref<3584xf32, #tpu.memory_space<vmem>>, vector<16xf32>,
      %get3A_813 = vector.shape_cast %get3A_812 : vector<16xf32> to vector<16xf32>
      %add3A_814 = arith.addf %add3A_810, %get3A_813 : vector<16xf32>
      %get3A_815 = arith.constant 2880 : index
      %get3A_816 = tpu.vector_load %arg10[%get3A_815] {strides = array<i32>} : memref<3584xf32, #tpu.memory_space<vmem>>, vector<16xf32>,
      %get3A_817 = vector.shape_cast %get3A_816 : vector<16xf32> to vector<16xf32>
      %add3A_818 = arith.addf %add3A_814, %get3A_817 : vector<16xf32>
      %get3A_819 = arith.constant 2992 : index
      %get3A_820 = tpu.vector_load %arg10[%get3A_819] {strides = array<i32>} : memref<3584xf32, #tpu.memory_space<vmem>>, vector<16xf32>,
      %get3A_821 = vector.shape_cast %get3A_820 : vector<16xf32> to vector<16xf32>
      %add3A_822 = arith.addf %add3A_818, %get3A_821 : vector<16xf32>
      %get3A_823 = arith.constant 3104 : index
      %get3A_824 = tpu.vector_load %arg10[%get3A_823] {strides = array<i32>} : memref<3584xf32, #tpu.memory_space<vmem>>, vector<16xf32>,
      %get3A_825 = vector.shape_cast %get3A_824 : vector<16xf32> to vector<16xf32>
      %add3A_826 = arith.addf %add3A_822, %get3A_825 : vector<16xf32>
      %get3A_827 = arith.constant 3216 : index
      %get3A_828 = tpu.vector_load %arg10[%get3A_827] {strides = array<i32>} : memref<3584xf32, #tpu.memory_space<vmem>>, vector<16xf32>,
      %get3A_829 = vector.shape_cast %get3A_828 : vector<16xf32> to vector<16xf32>
      %add3A_830 = arith.addf %add3A_826, %get3A_829 : vector<16xf32>
      %get3A_831 = arith.constant 3328 : index
      %get3A_832 = tpu.vector_load %arg10[%get3A_831] {strides = array<i32>} : memref<3584xf32, #tpu.memory_space<vmem>>, vector<16xf32>,
      %get3A_833 = vector.shape_cast %get3A_832 : vector<16xf32> to vector<16xf32>
      %add3A_834 = arith.addf %add3A_830, %get3A_833 : vector<16xf32>
      %get3A_835 = arith.constant 3440 : index
      %get3A_836 = tpu.vector_load %arg10[%get3A_835] {strides = array<i32>} : memref<3584xf32, #tpu.memory_space<vmem>>, vector<16xf32>,
      %get3A_837 = vector.shape_cast %get3A_836 : vector<16xf32> to vector<16xf32>
      %add3A_838 = arith.addf %add3A_834, %get3A_837 : vector<16xf32>
      %get3A_839 = arith.constant 3552 : index
      %get3A_840 = tpu.vector_load %arg10[%get3A_839] {strides = array<i32>} : memref<3584xf32, #tpu.memory_space<vmem>>, vector<16xf32>,
      %get3A_841 = vector.shape_cast %get3A_840 : vector<16xf32> to vector<16xf32>
      %add3A_842 = arith.addf %add3A_838, %get3A_841 : vector<16xf32>
      %mul3A_843 = arith.constant 3.125000e-02 : f32
      %mul3A_844 = vector.broadcast %mul3A_843 : f32 to vector<16xf32>
      %mul3A_845 = arith.mulf %add3A_842, %mul3A_844 : vector<16xf32>
      %swap3A_846 = arith.constant 80 : index
      %swap3A_847 = tpu.vector_load %arg11[%swap3A_846] {strides = array<i32>} : memref<112xf32, #tpu.memory_space<vmem>>, vector<16xf32>,
      %swap3A_848 = vector.shape_cast %swap3A_847 : vector<16xf32> to vector<16xf32>
      %swap3A_849 = vector.shape_cast %mul3A_845 : vector<16xf32> to vector<16xf32>
      tpu.vector_store %arg11[%swap3A_846], %swap3A_849 {strides = array<i32>} : memref<112xf32, #tpu.memory_space<vmem>>, vector<16xf32>,
      %get3A_850 = arith.constant 96 : index
      %get3A_851 = tpu.vector_load %arg10[%get3A_850] {strides = array<i32>} : memref<3584xf32, #tpu.memory_space<vmem>>, vector<16xf32>,
      %get3A_852 = vector.shape_cast %get3A_851 : vector<16xf32> to vector<16xf32>
      %get3A_853 = arith.constant 208 : index
      %get3A_854 = tpu.vector_load %arg10[%get3A_853] {strides = array<i32>} : memref<3584xf32, #tpu.memory_space<vmem>>, vector<16xf32>,
      %get3A_855 = vector.shape_cast %get3A_854 : vector<16xf32> to vector<16xf32>
      %add3A_856 = arith.addf %get3A_852, %get3A_855 : vector<16xf32>
      %get3A_857 = arith.constant 320 : index
      %get3A_858 = tpu.vector_load %arg10[%get3A_857] {strides = array<i32>} : memref<3584xf32, #tpu.memory_space<vmem>>, vector<16xf32>,
      %get3A_859 = vector.shape_cast %get3A_858 : vector<16xf32> to vector<16xf32>
      %add3A_860 = arith.addf %add3A_856, %get3A_859 : vector<16xf32>
      %get3A_861 = arith.constant 432 : index
      %get3A_862 = tpu.vector_load %arg10[%get3A_861] {strides = array<i32>} : memref<3584xf32, #tpu.memory_space<vmem>>, vector<16xf32>,
      %get3A_863 = vector.shape_cast %get3A_862 : vector<16xf32> to vector<16xf32>
      %add3A_864 = arith.addf %add3A_860, %get3A_863 : vector<16xf32>
      %get3A_865 = arith.constant 544 : index
      %get3A_866 = tpu.vector_load %arg10[%get3A_865] {strides = array<i32>} : memref<3584xf32, #tpu.memory_space<vmem>>, vector<16xf32>,
      %get3A_867 = vector.shape_cast %get3A_866 : vector<16xf32> to vector<16xf32>
      %add3A_868 = arith.addf %add3A_864, %get3A_867 : vector<16xf32>
      %get3A_869 = arith.constant 656 : index
      %get3A_870 = tpu.vector_load %arg10[%get3A_869] {strides = array<i32>} : memref<3584xf32, #tpu.memory_space<vmem>>, vector<16xf32>,
      %get3A_871 = vector.shape_cast %get3A_870 : vector<16xf32> to vector<16xf32>
      %add3A_872 = arith.addf %add3A_868, %get3A_871 : vector<16xf32>
      %get3A_873 = arith.constant 768 : index
      %get3A_874 = tpu.vector_load %arg10[%get3A_873] {strides = array<i32>} : memref<3584xf32, #tpu.memory_space<vmem>>, vector<16xf32>,
      %get3A_875 = vector.shape_cast %get3A_874 : vector<16xf32> to vector<16xf32>
      %add3A_876 = arith.addf %add3A_872, %get3A_875 : vector<16xf32>
      %get3A_877 = arith.constant 880 : index
      %get3A_878 = tpu.vector_load %arg10[%get3A_877] {strides = array<i32>} : memref<3584xf32, #tpu.memory_space<vmem>>, vector<16xf32>,
      %get3A_879 = vector.shape_cast %get3A_878 : vector<16xf32> to vector<16xf32>
      %add3A_880 = arith.addf %add3A_876, %get3A_879 : vector<16xf32>
      %get3A_881 = arith.constant 992 : index
      %get3A_882 = tpu.vector_load %arg10[%get3A_881] {strides = array<i32>} : memref<3584xf32, #tpu.memory_space<vmem>>, vector<16xf32>,
      %get3A_883 = vector.shape_cast %get3A_882 : vector<16xf32> to vector<16xf32>
      %add3A_884 = arith.addf %add3A_880, %get3A_883 : vector<16xf32>
      %get3A_885 = arith.constant 1104 : index
      %get3A_886 = tpu.vector_load %arg10[%get3A_885] {strides = array<i32>} : memref<3584xf32, #tpu.memory_space<vmem>>, vector<16xf32>,
      %get3A_887 = vector.shape_cast %get3A_886 : vector<16xf32> to vector<16xf32>
      %add3A_888 = arith.addf %add3A_884, %get3A_887 : vector<16xf32>
      %get3A_889 = arith.constant 1216 : index
      %get3A_890 = tpu.vector_load %arg10[%get3A_889] {strides = array<i32>} : memref<3584xf32, #tpu.memory_space<vmem>>, vector<16xf32>,
      %get3A_891 = vector.shape_cast %get3A_890 : vector<16xf32> to vector<16xf32>
      %add3A_892 = arith.addf %add3A_888, %get3A_891 : vector<16xf32>
      %get3A_893 = arith.constant 1328 : index
      %get3A_894 = tpu.vector_load %arg10[%get3A_893] {strides = array<i32>} : memref<3584xf32, #tpu.memory_space<vmem>>, vector<16xf32>,
      %get3A_895 = vector.shape_cast %get3A_894 : vector<16xf32> to vector<16xf32>
      %add3A_896 = arith.addf %add3A_892, %get3A_895 : vector<16xf32>
      %get3A_897 = arith.constant 1440 : index
      %get3A_898 = tpu.vector_load %arg10[%get3A_897] {strides = array<i32>} : memref<3584xf32, #tpu.memory_space<vmem>>, vector<16xf32>,
      %get3A_899 = vector.shape_cast %get3A_898 : vector<16xf32> to vector<16xf32>
      %add3A_900 = arith.addf %add3A_896, %get3A_899 : vector<16xf32>
      %get3A_901 = arith.constant 1552 : index
      %get3A_902 = tpu.vector_load %arg10[%get3A_901] {strides = array<i32>} : memref<3584xf32, #tpu.memory_space<vmem>>, vector<16xf32>,
      %get3A_903 = vector.shape_cast %get3A_902 : vector<16xf32> to vector<16xf32>
      %add3A_904 = arith.addf %add3A_900, %get3A_903 : vector<16xf32>
      %get3A_905 = arith.constant 1664 : index
      %get3A_906 = tpu.vector_load %arg10[%get3A_905] {strides = array<i32>} : memref<3584xf32, #tpu.memory_space<vmem>>, vector<16xf32>,
      %get3A_907 = vector.shape_cast %get3A_906 : vector<16xf32> to vector<16xf32>
      %add3A_908 = arith.addf %add3A_904, %get3A_907 : vector<16xf32>
      %get3A_909 = arith.constant 1776 : index
      %get3A_910 = tpu.vector_load %arg10[%get3A_909] {strides = array<i32>} : memref<3584xf32, #tpu.memory_space<vmem>>, vector<16xf32>,
      %get3A_911 = vector.shape_cast %get3A_910 : vector<16xf32> to vector<16xf32>
      %add3A_912 = arith.addf %add3A_908, %get3A_911 : vector<16xf32>
      %get3A_913 = arith.constant 1888 : index
      %get3A_914 = tpu.vector_load %arg10[%get3A_913] {strides = array<i32>} : memref<3584xf32, #tpu.memory_space<vmem>>, vector<16xf32>,
      %get3A_915 = vector.shape_cast %get3A_914 : vector<16xf32> to vector<16xf32>
      %add3A_916 = arith.addf %add3A_912, %get3A_915 : vector<16xf32>
      %get3A_917 = arith.constant 2000 : index
      %get3A_918 = tpu.vector_load %arg10[%get3A_917] {strides = array<i32>} : memref<3584xf32, #tpu.memory_space<vmem>>, vector<16xf32>,
      %get3A_919 = vector.shape_cast %get3A_918 : vector<16xf32> to vector<16xf32>
      %add3A_920 = arith.addf %add3A_916, %get3A_919 : vector<16xf32>
      %get3A_921 = arith.constant 2112 : index
      %get3A_922 = tpu.vector_load %arg10[%get3A_921] {strides = array<i32>} : memref<3584xf32, #tpu.memory_space<vmem>>, vector<16xf32>,
      %get3A_923 = vector.shape_cast %get3A_922 : vector<16xf32> to vector<16xf32>
      %add3A_924 = arith.addf %add3A_920, %get3A_923 : vector<16xf32>
      %get3A_925 = arith.constant 2224 : index
      %get3A_926 = tpu.vector_load %arg10[%get3A_925] {strides = array<i32>} : memref<3584xf32, #tpu.memory_space<vmem>>, vector<16xf32>,
      %get3A_927 = vector.shape_cast %get3A_926 : vector<16xf32> to vector<16xf32>
      %add3A_928 = arith.addf %add3A_924, %get3A_927 : vector<16xf32>
      %get3A_929 = arith.constant 2336 : index
      %get3A_930 = tpu.vector_load %arg10[%get3A_929] {strides = array<i32>} : memref<3584xf32, #tpu.memory_space<vmem>>, vector<16xf32>,
      %get3A_931 = vector.shape_cast %get3A_930 : vector<16xf32> to vector<16xf32>
      %add3A_932 = arith.addf %add3A_928, %get3A_931 : vector<16xf32>
      %get3A_933 = arith.constant 2448 : index
      %get3A_934 = tpu.vector_load %arg10[%get3A_933] {strides = array<i32>} : memref<3584xf32, #tpu.memory_space<vmem>>, vector<16xf32>,
      %get3A_935 = vector.shape_cast %get3A_934 : vector<16xf32> to vector<16xf32>
      %add3A_936 = arith.addf %add3A_932, %get3A_935 : vector<16xf32>
      %get3A_937 = arith.constant 2560 : index
      %get3A_938 = tpu.vector_load %arg10[%get3A_937] {strides = array<i32>} : memref<3584xf32, #tpu.memory_space<vmem>>, vector<16xf32>,
      %get3A_939 = vector.shape_cast %get3A_938 : vector<16xf32> to vector<16xf32>
      %add3A_940 = arith.addf %add3A_936, %get3A_939 : vector<16xf32>
      %get3A_941 = arith.constant 2672 : index
      %get3A_942 = tpu.vector_load %arg10[%get3A_941] {strides = array<i32>} : memref<3584xf32, #tpu.memory_space<vmem>>, vector<16xf32>,
      %get3A_943 = vector.shape_cast %get3A_942 : vector<16xf32> to vector<16xf32>
      %add3A_944 = arith.addf %add3A_940, %get3A_943 : vector<16xf32>
      %get3A_945 = arith.constant 2784 : index
      %get3A_946 = tpu.vector_load %arg10[%get3A_945] {strides = array<i32>} : memref<3584xf32, #tpu.memory_space<vmem>>, vector<16xf32>,
      %get3A_947 = vector.shape_cast %get3A_946 : vector<16xf32> to vector<16xf32>
      %add3A_948 = arith.addf %add3A_944, %get3A_947 : vector<16xf32>
      %get3A_949 = arith.constant 2896 : index
      %get3A_950 = tpu.vector_load %arg10[%get3A_949] {strides = array<i32>} : memref<3584xf32, #tpu.memory_space<vmem>>, vector<16xf32>,
      %get3A_951 = vector.shape_cast %get3A_950 : vector<16xf32> to vector<16xf32>
      %add3A_952 = arith.addf %add3A_948, %get3A_951 : vector<16xf32>
      %get3A_953 = arith.constant 3008 : index
      %get3A_954 = tpu.vector_load %arg10[%get3A_953] {strides = array<i32>} : memref<3584xf32, #tpu.memory_space<vmem>>, vector<16xf32>,
      %get3A_955 = vector.shape_cast %get3A_954 : vector<16xf32> to vector<16xf32>
      %add3A_956 = arith.addf %add3A_952, %get3A_955 : vector<16xf32>
      %get3A_957 = arith.constant 3120 : index
      %get3A_958 = tpu.vector_load %arg10[%get3A_957] {strides = array<i32>} : memref<3584xf32, #tpu.memory_space<vmem>>, vector<16xf32>,
      %get3A_959 = vector.shape_cast %get3A_958 : vector<16xf32> to vector<16xf32>
      %add3A_960 = arith.addf %add3A_956, %get3A_959 : vector<16xf32>
      %get3A_961 = arith.constant 3232 : index
      %get3A_962 = tpu.vector_load %arg10[%get3A_961] {strides = array<i32>} : memref<3584xf32, #tpu.memory_space<vmem>>, vector<16xf32>,
      %get3A_963 = vector.shape_cast %get3A_962 : vector<16xf32> to vector<16xf32>
      %add3A_964 = arith.addf %add3A_960, %get3A_963 : vector<16xf32>
      %get3A_965 = arith.constant 3344 : index
      %get3A_966 = tpu.vector_load %arg10[%get3A_965] {strides = array<i32>} : memref<3584xf32, #tpu.memory_space<vmem>>, vector<16xf32>,
      %get3A_967 = vector.shape_cast %get3A_966 : vector<16xf32> to vector<16xf32>
      %add3A_968 = arith.addf %add3A_964, %get3A_967 : vector<16xf32>
      %get3A_969 = arith.constant 3456 : index
      %get3A_970 = tpu.vector_load %arg10[%get3A_969] {strides = array<i32>} : memref<3584xf32, #tpu.memory_space<vmem>>, vector<16xf32>,
      %get3A_971 = vector.shape_cast %get3A_970 : vector<16xf32> to vector<16xf32>
      %add3A_972 = arith.addf %add3A_968, %get3A_971 : vector<16xf32>
      %get3A_973 = arith.constant 3568 : index
      %get3A_974 = tpu.vector_load %arg10[%get3A_973] {strides = array<i32>} : memref<3584xf32, #tpu.memory_space<vmem>>, vector<16xf32>,
      %get3A_975 = vector.shape_cast %get3A_974 : vector<16xf32> to vector<16xf32>
      %add3A_976 = arith.addf %add3A_972, %get3A_975 : vector<16xf32>
      %mul3A_977 = arith.constant 3.125000e-02 : f32
      %mul3A_978 = vector.broadcast %mul3A_977 : f32 to vector<16xf32>
      %mul3A_979 = arith.mulf %add3A_976, %mul3A_978 : vector<16xf32>
      %swap3A_980 = arith.constant 96 : index
      %swap3A_981 = tpu.vector_load %arg11[%swap3A_980] {strides = array<i32>} : memref<112xf32, #tpu.memory_space<vmem>>, vector<16xf32>,
      %swap3A_982 = vector.shape_cast %swap3A_981 : vector<16xf32> to vector<16xf32>
      %swap3A_983 = vector.shape_cast %mul3A_979 : vector<16xf32> to vector<16xf32>
      tpu.vector_store %arg11[%swap3A_980], %swap3A_983 {strides = array<i32>} : memref<112xf32, #tpu.memory_space<vmem>>, vector<16xf32>,
      "tpu.region"() ({
        %run_scoped3A = tpu.sem_alloc : memref<!tpu.dma_semaphore, #tpu.memory_space<semaphore_mem>>
        tpu.enqueue_dma source(%arg11 : memref<112xf32, #tpu.memory_space<vmem>>) target(%arg12 : memref<112xf32, #tpu.memory_space<vmem_shared>>) target_semaphore(%run_scoped3A : memref<!tpu.dma_semaphore, #tpu.memory_space<semaphore_mem>>)
        tpu.wait_dma2 semaphore(%run_scoped3A : memref<!tpu.dma_semaphore, #tpu.memory_space<semaphore_mem>>) src(%arg11 : memref<112xf32, #tpu.memory_space<vmem>>) dst(%arg12 : memref<112xf32, #tpu.memory_space<vmem_shared>>)
        tpu.yield
      }) : () -> ()
    } else {
    }
    %barrier3A = arith.constant 0 : index
    tpu.barrier barrier_id(%barrier3A)
    %dma_wait3A = tpu.memref_slice %arg2[%mul3A_2] : memref<819200xi32, #tpu.memory_space<hbm>> -> memref<8192xi32, #tpu.memory_space<hbm>>
    %dma_wait3A_10 = tpu.memref_slice %arg2[%mul3A_2] : memref<819200xi32, #tpu.memory_space<hbm>> -> memref<8192xi32, #tpu.memory_space<hbm>>
    tpu.wait_dma2 semaphore(%arg13 : memref<!tpu.dma_semaphore, #tpu.memory_space<semaphore_mem>>) src(%dma_wait3A_10 : memref<8192xi32, #tpu.memory_space<hbm>>) dst(%arg6 : memref<8192xi32, #tpu.memory_space<vmem>>)
    %dma_start3A_11 = arith.constant 0 : i32
    %dma_start3A_12 = tpu.memref_slice %arg8[%dma_start3A_11] : memref<25600xf32, #tpu.memory_space<vmem>> -> memref<8192xf32, #tpu.memory_space<vmem>>
    %dma_start3A_13 = arith.constant 0 : i32
    %dma_start3A_14 = tpu.memref_slice %arg12[%dma_start3A_13] : memref<112xf32, #tpu.memory_space<vmem_shared>> -> memref<112xf32, #tpu.memory_space<vmem_shared>>
    tpu.enqueue_indirect_dma source(%dma_start3A_14 : memref<112xf32, #tpu.memory_space<vmem_shared>>) target(%dma_start3A_12 : memref<8192xf32, #tpu.memory_space<vmem>>) offsets(%arg6 : memref<8192xi32, #tpu.memory_space<vmem>>) semaphore(%arg16 : memref<!tpu.dma_semaphore, #tpu.memory_space<semaphore_mem>>)
    "tpu.region"() ({
      %run_scoped3A = tpu.sem_alloc : memref<!tpu.dma_semaphore, #tpu.memory_space<semaphore_mem>>
      tpu.enqueue_dma source(%arg12 : memref<112xf32, #tpu.memory_space<vmem_shared>>) target(%arg11 : memref<112xf32, #tpu.memory_space<vmem>>) target_semaphore(%run_scoped3A : memref<!tpu.dma_semaphore, #tpu.memory_space<semaphore_mem>>)
      tpu.wait_dma2 semaphore(%run_scoped3A : memref<!tpu.dma_semaphore, #tpu.memory_space<semaphore_mem>>) src(%arg12 : memref<112xf32, #tpu.memory_space<vmem_shared>>) dst(%arg11 : memref<112xf32, #tpu.memory_space<vmem>>)
      tpu.yield
    }) : () -> ()
    %get3A = arith.constant 0 : index
    %get3A_15 = tpu.vector_load %arg11[%get3A] {strides = array<i32>} : memref<112xf32, #tpu.memory_space<vmem>>, vector<16xf32>,
    %get3A_16 = vector.shape_cast %get3A_15 : vector<16xf32> to vector<16xf32>
    %get3A_17 = arith.constant 16 : index
    %get3A_18 = tpu.vector_load %arg11[%get3A_17] {strides = array<i32>} : memref<112xf32, #tpu.memory_space<vmem>>, vector<16xf32>,
    %get3A_19 = vector.shape_cast %get3A_18 : vector<16xf32> to vector<16xf32>
    %get3A_20 = arith.constant 32 : index
    %get3A_21 = tpu.vector_load %arg11[%get3A_20] {strides = array<i32>} : memref<112xf32, #tpu.memory_space<vmem>>, vector<16xf32>,
    %get3A_22 = vector.shape_cast %get3A_21 : vector<16xf32> to vector<16xf32>
    %get3A_23 = arith.constant 48 : index
    %get3A_24 = tpu.vector_load %arg11[%get3A_23] {strides = array<i32>} : memref<112xf32, #tpu.memory_space<vmem>>, vector<16xf32>,
    %get3A_25 = vector.shape_cast %get3A_24 : vector<16xf32> to vector<16xf32>
    %get3A_26 = arith.constant 64 : index
    %get3A_27 = tpu.vector_load %arg11[%get3A_26] {strides = array<i32>} : memref<112xf32, #tpu.memory_space<vmem>>, vector<16xf32>,
    %get3A_28 = vector.shape_cast %get3A_27 : vector<16xf32> to vector<16xf32>
    %get3A_29 = arith.constant 80 : index
    %get3A_30 = tpu.vector_load %arg11[%get3A_29] {strides = array<i32>} : memref<112xf32, #tpu.memory_space<vmem>>, vector<16xf32>,
    %get3A_31 = vector.shape_cast %get3A_30 : vector<16xf32> to vector<16xf32>
    %get3A_32 = arith.constant 96 : index
    %get3A_33 = tpu.vector_load %arg11[%get3A_32] {strides = array<i32>} : memref<112xf32, #tpu.memory_space<vmem>>, vector<16xf32>,
    %get3A_34 = vector.shape_cast %get3A_33 : vector<16xf32> to vector<16xf32>
    %dma_wait3A_35 = tpu.memref_slice %arg2[%add3A_5] : memref<819200xi32, #tpu.memory_space<hbm>> -> memref<17408xi32, #tpu.memory_space<hbm>>
    %dma_wait3A_36 = tpu.memref_slice %arg2[%add3A_5] : memref<819200xi32, #tpu.memory_space<hbm>> -> memref<17408xi32, #tpu.memory_space<hbm>>
    tpu.wait_dma2 semaphore(%arg14 : memref<!tpu.dma_semaphore, #tpu.memory_space<semaphore_mem>>) src(%dma_wait3A_36 : memref<17408xi32, #tpu.memory_space<hbm>>) dst(%arg7 : memref<17408xi32, #tpu.memory_space<vmem>>)
    %parallel_loop3A = arith.constant 0 : i32
    %parallel_loop3A_37 = arith.constant 1088 : i32
    %parallel_loop3A_38 = arith.constant 1 : i32
    scf.for %parallel_loop3A_43 = %parallel_loop3A to %parallel_loop3A_37 step %parallel_loop3A_38  : i32 {
      %parallel_loop3A_44 = arith.constant 16 : i32
      %parallel_loop3A_45 = arith.muli %parallel_loop3A_43, %parallel_loop3A_44 : i32
      %parallel_loop3A_46 = arith.index_cast %parallel_loop3A_45 : i32 to index
      %parallel_loop3A_47 = tpu.vector_load %arg7[%parallel_loop3A_46] {strides = array<i32>} : memref<17408xi32, #tpu.memory_space<vmem>>, vector<16xi32>,
      %parallel_loop3A_48 = vector.shape_cast %parallel_loop3A_47 : vector<16xi32> to vector<16xi32>
      %parallel_loop3A_49 = arith.constant 15 : i32
      %parallel_loop3A_50 = vector.broadcast %parallel_loop3A_49 : i32 to vector<16xi32>
      %parallel_loop3A_51 = arith.andi %parallel_loop3A_48, %parallel_loop3A_50 : vector<16xi32>
      %parallel_loop3A_52 = vector.shape_cast %parallel_loop3A_51 : vector<16xi32> to vector<16x1xi32>
      %parallel_loop3A_53 = vector.shape_cast %parallel_loop3A_52 : vector<16x1xi32> to vector<16xi32>
      %parallel_loop3A_54 = tpu.dynamic_gather %get3A_16[%parallel_loop3A_53] in [0] : vector<16xf32>, vector<16xi32> -> vector<16xf32>
      %parallel_loop3A_55 = arith.constant 16 : i32
      %parallel_loop3A_56 = vector.broadcast %parallel_loop3A_55 : i32 to vector<16xi32>
      %parallel_loop3A_57 = arith.cmpi sge, %parallel_loop3A_48, %parallel_loop3A_56 : vector<16xi32>
      %parallel_loop3A_58 = vector.shape_cast %parallel_loop3A_51 : vector<16xi32> to vector<16x1xi32>
      %parallel_loop3A_59 = vector.shape_cast %parallel_loop3A_58 : vector<16x1xi32> to vector<16xi32>
      %parallel_loop3A_60 = tpu.dynamic_gather %get3A_19[%parallel_loop3A_59] in [0] : vector<16xf32>, vector<16xi32> -> vector<16xf32>
      %parallel_loop3A_61 = arith.select %parallel_loop3A_57, %parallel_loop3A_60, %parallel_loop3A_54 : vector<16xi1>, vector<16xf32>
      %parallel_loop3A_62 = arith.constant 32 : i32
      %parallel_loop3A_63 = vector.broadcast %parallel_loop3A_62 : i32 to vector<16xi32>
      %parallel_loop3A_64 = arith.cmpi sge, %parallel_loop3A_48, %parallel_loop3A_63 : vector<16xi32>
      %parallel_loop3A_65 = vector.shape_cast %parallel_loop3A_51 : vector<16xi32> to vector<16x1xi32>
      %parallel_loop3A_66 = vector.shape_cast %parallel_loop3A_65 : vector<16x1xi32> to vector<16xi32>
      %parallel_loop3A_67 = tpu.dynamic_gather %get3A_22[%parallel_loop3A_66] in [0] : vector<16xf32>, vector<16xi32> -> vector<16xf32>
      %parallel_loop3A_68 = arith.select %parallel_loop3A_64, %parallel_loop3A_67, %parallel_loop3A_61 : vector<16xi1>, vector<16xf32>
      %parallel_loop3A_69 = arith.constant 48 : i32
      %parallel_loop3A_70 = vector.broadcast %parallel_loop3A_69 : i32 to vector<16xi32>
      %parallel_loop3A_71 = arith.cmpi sge, %parallel_loop3A_48, %parallel_loop3A_70 : vector<16xi32>
      %parallel_loop3A_72 = vector.shape_cast %parallel_loop3A_51 : vector<16xi32> to vector<16x1xi32>
      %parallel_loop3A_73 = vector.shape_cast %parallel_loop3A_72 : vector<16x1xi32> to vector<16xi32>
      %parallel_loop3A_74 = tpu.dynamic_gather %get3A_25[%parallel_loop3A_73] in [0] : vector<16xf32>, vector<16xi32> -> vector<16xf32>
      %parallel_loop3A_75 = arith.select %parallel_loop3A_71, %parallel_loop3A_74, %parallel_loop3A_68 : vector<16xi1>, vector<16xf32>
      %parallel_loop3A_76 = arith.constant 64 : i32
      %parallel_loop3A_77 = vector.broadcast %parallel_loop3A_76 : i32 to vector<16xi32>
      %parallel_loop3A_78 = arith.cmpi sge, %parallel_loop3A_48, %parallel_loop3A_77 : vector<16xi32>
      %parallel_loop3A_79 = vector.shape_cast %parallel_loop3A_51 : vector<16xi32> to vector<16x1xi32>
      %parallel_loop3A_80 = vector.shape_cast %parallel_loop3A_79 : vector<16x1xi32> to vector<16xi32>
      %parallel_loop3A_81 = tpu.dynamic_gather %get3A_28[%parallel_loop3A_80] in [0] : vector<16xf32>, vector<16xi32> -> vector<16xf32>
      %parallel_loop3A_82 = arith.select %parallel_loop3A_78, %parallel_loop3A_81, %parallel_loop3A_75 : vector<16xi1>, vector<16xf32>
      %parallel_loop3A_83 = arith.constant 80 : i32
      %parallel_loop3A_84 = vector.broadcast %parallel_loop3A_83 : i32 to vector<16xi32>
      %parallel_loop3A_85 = arith.cmpi sge, %parallel_loop3A_48, %parallel_loop3A_84 : vector<16xi32>
      %parallel_loop3A_86 = vector.shape_cast %parallel_loop3A_51 : vector<16xi32> to vector<16x1xi32>
      %parallel_loop3A_87 = vector.shape_cast %parallel_loop3A_86 : vector<16x1xi32> to vector<16xi32>
      %parallel_loop3A_88 = tpu.dynamic_gather %get3A_31[%parallel_loop3A_87] in [0] : vector<16xf32>, vector<16xi32> -> vector<16xf32>
      %parallel_loop3A_89 = arith.select %parallel_loop3A_85, %parallel_loop3A_88, %parallel_loop3A_82 : vector<16xi1>, vector<16xf32>
      %parallel_loop3A_90 = arith.constant 96 : i32
      %parallel_loop3A_91 = vector.broadcast %parallel_loop3A_90 : i32 to vector<16xi32>
      %parallel_loop3A_92 = arith.cmpi sge, %parallel_loop3A_48, %parallel_loop3A_91 : vector<16xi32>
      %parallel_loop3A_93 = vector.shape_cast %parallel_loop3A_51 : vector<16xi32> to vector<16x1xi32>
      %parallel_loop3A_94 = vector.shape_cast %parallel_loop3A_93 : vector<16x1xi32> to vector<16xi32>
      %parallel_loop3A_95 = tpu.dynamic_gather %get3A_34[%parallel_loop3A_94] in [0] : vector<16xf32>, vector<16xi32> -> vector<16xf32>
      %parallel_loop3A_96 = arith.select %parallel_loop3A_92, %parallel_loop3A_95, %parallel_loop3A_89 : vector<16xi1>, vector<16xf32>
      %parallel_loop3A_97 = arith.constant 8192 : i32
      %parallel_loop3A_98 = arith.addi %parallel_loop3A_97, %parallel_loop3A_45 : i32
      %parallel_loop3A_99 = arith.index_cast %parallel_loop3A_98 : i32 to index
      %parallel_loop3A_100 = tpu.vector_load %arg8[%parallel_loop3A_99] {strides = array<i32>} : memref<25600xf32, #tpu.memory_space<vmem>>, vector<16xf32>,
      %parallel_loop3A_101 = vector.shape_cast %parallel_loop3A_100 : vector<16xf32> to vector<16xf32>
      %parallel_loop3A_102 = vector.shape_cast %parallel_loop3A_96 : vector<16xf32> to vector<16xf32>
      tpu.vector_store %arg8[%parallel_loop3A_99], %parallel_loop3A_102 {strides = array<i32>} : memref<25600xf32, #tpu.memory_space<vmem>>, vector<16xf32>,
    } {sc.loop_unroll_factor = 8 : i64, sc.parallel_access}
    %dma_wait3A_39 = arith.constant 0 : i32
    %dma_wait3A_40 = tpu.memref_slice %arg8[%dma_wait3A_39] : memref<25600xf32, #tpu.memory_space<vmem>> -> memref<8192xf32, #tpu.memory_space<vmem>>
    %dma_wait3A_41 = arith.constant 0 : i32
    %dma_wait3A_42 = tpu.memref_slice %arg12[%dma_wait3A_41] : memref<112xf32, #tpu.memory_space<vmem_shared>> -> memref<112xf32, #tpu.memory_space<vmem_shared>>
    tpu.wait_indirect_dma semaphore(%arg16 : memref<!tpu.dma_semaphore, #tpu.memory_space<semaphore_mem>>) src(%dma_wait3A_42 : memref<112xf32, #tpu.memory_space<vmem_shared>>) dst(%dma_wait3A_40 : memref<8192xf32, #tpu.memory_space<vmem>>)
    "tpu.region"() ({
      %run_scoped3A = tpu.sem_alloc : memref<!tpu.dma_semaphore, #tpu.memory_space<semaphore_mem>>
      %dma_start3A_43 = tpu.memref_slice %arg5[%mul3A_2] : memref<819200xf32, #tpu.memory_space<hbm>> -> memref<25600xf32, #tpu.memory_space<hbm>>
      %dma_start3A_44 = tpu.memref_slice %arg5[%mul3A_2] : memref<819200xf32, #tpu.memory_space<hbm>> -> memref<25600xf32, #tpu.memory_space<hbm>>
      tpu.enqueue_dma source(%arg8 : memref<25600xf32, #tpu.memory_space<vmem>>) target(%dma_start3A_44 : memref<25600xf32, #tpu.memory_space<hbm>>) target_semaphore(%run_scoped3A : memref<!tpu.dma_semaphore, #tpu.memory_space<semaphore_mem>>)
      %dma_wait3A_45 = tpu.memref_slice %arg5[%mul3A_2] : memref<819200xf32, #tpu.memory_space<hbm>> -> memref<25600xf32, #tpu.memory_space<hbm>>
      %dma_wait3A_46 = tpu.memref_slice %arg5[%mul3A_2] : memref<819200xf32, #tpu.memory_space<hbm>> -> memref<25600xf32, #tpu.memory_space<hbm>>
      tpu.wait_dma2 semaphore(%run_scoped3A : memref<!tpu.dma_semaphore, #tpu.memory_space<semaphore_mem>>) src(%arg8 : memref<25600xf32, #tpu.memory_space<vmem>>) dst(%dma_wait3A_46 : memref<25600xf32, #tpu.memory_space<hbm>>)
      tpu.yield
    }) : () -> ()
    return
  }
}

</mosaic_0001>

<sc_bundles>
// kernel: _sc_mean_lookup.3.cloned.1.call-start
scs
__scs_entry_jumppad:
0x0: {  	(pc) =	sbr.rel $0x88, $3  }
0x1: {  	(tag) =	ssettag $0x0;
	lr =	simm.s32 $0x1  }
0x2: {  	[smem:$0x3F9E] =	sst lr;
	_ =	strace $0xD0000000  }
0x3: {  	_ = 	snop  }
0x4: {  	_ = 	snop  }
0x5: {  	_ = 	snop  }
0x6: {  	_ = 	snop  }
0x7: {  	_ = 	snop  }
__scs_overlays_trampoline_lowered:
0x8: {  	[smem:$0x3FAD] =	sst s0  }
0x9: {  	[smem:$0x3FAE] =	sst s1  }
0xa: {  	[smem:$0x3FAF] =	sst s2  }
0xb: {  	[smem:$0x3FB0] =	sst s3  }
0xc: {  	[smem:$0x3FB1] =	sst s4  }
0xd: {  	[smem:$0x3FB2] =	sst s5  }
0xe: {  	[smem:$0x3FB3] =	sst s6  }
0xf: {  	[smem:$0x3FB4] =	sst s7  }
0x10: {  	[smem:$0x3FB5] =	sst s8  }
0x11: {  	[smem:$0x3FB6] =	sst s9;
	s0 =	simm.s32 @!p0 $0x0  }
0x12: {  	s1 =	sld [smem:$0x3F9C];
	s0 =	simm.s32 @p0 $0x1  }
0x13: {  	[smem:$0x3FB7] =	sst s0;
	s0 =	simm.s32 @!p1 $0x0  }
0x14: {  	s2 =	sld [smem:$0x3F9B];
	s0 =	simm.s32 @p1 $0x1  }
0x15: {  	[smem:$0x3FB8] =	sst s0;
	s0 =	simm.s32 @!p2 $0x0  }
0x16: {  	s3 =	sld [smem:$0x3FDB];
	s0 =	simm.s32 @p2 $0x1  }
0x17: {  	s4 =	simm.s32 $0x1BF5;
	[smem:$0x3FBA] =	sst s0  }
0x18: {  	s0 =	sld [smem:$0x3F9D];
	_ =	swait.ge [sflag:s4], $0x0  }
0x19: {  	s7 =	sld [smem:$0x3F9E]  }
0x1a: {  	s8 =	sadd.s32 $0xFFFFE003, lr  }
0x1b: {  	s9 =	sadd.s32 $0xFFFFFEF7, lr;
	s5 =	simm.s32 $0xFFFFFFFF;
	p2 =	slt.u32 s8, $0xFFFFF086  }
0x1c: {  	p1 =	slt.u32 s9, $0xF7A;
	s5 =	simm.s32 @!p2 $0x0  }
0x1d: {  	s5 =	simm.s32 @p1 $0x1;
	p0 =	seq.s32 s7, s2  }
0x1e: {  	s7 =	smul.u32 @!p0 $0xF7A, s2;
	p2 =	seq.s32 @!p0 s5, $0x0  }
0x1f: {  	s9 =	smul.u32 $0xF7A, s1;
	s8 =	simm.s32 @!p0 $0x1BF5;
	p2 =	por !p2, p0  }
0x20: {  	[sflag:s8] =	ssyncset.s32 @!p0 $0xFFFFF086;
	s6 =	sadd.s32 @!p0 s3, s7;
	s7 =	simm.s32 @!p0 $0x108  }
0x21: {  	s3 =	sadd.s32 s3, s9;
	s6 =	sadd.s32 @!p0 $0x88, s6;
	s7 =	simm.s32 @p2 $0x1082  }
0x22: {  	[simem:s7], [sflag:s8] =	dma.local @!p0 [hbm:s6], $0xF7A  }
0x23: {  	s9 =	sor.u32 $0xD0000000, s2;
	s6 =	simm.s32 $0x108;
	_ =	swait.ge @!p0 [sflag:s8], $0x0  }
0x24: {  	s3 =	sadd.s32 $0x88, s3;
	s6 =	simm.s32 @!p1 $0x1082;
	[sflag:s4] =	ssyncset.s32 $0xFFFFF086  }
0x25: {  	[simem:s6], [sflag:s4] =	dma.local [hbm:s3], $0xF7A  }
0x26: {  	[smem:$0x3F9E] =	sst s1;
	(tag) =	ssettag s2;
	_ =	strace s9  }
0x27: {  	s1 =	sld [smem:$0x3FAE]  }
0x28: {  	s2 =	sld [smem:$0x3FAF]  }
0x29: {  	s4 =	sld [smem:$0x3FB1]  }
0x2a: {  	p0 =	seq.s32 s5, $0x0;
	s5 =	sld [smem:$0x3FB2]  }
0x2b: {  	s6 =	sld [smem:$0x3FB3]  }
0x2c: {  	s7 =	sld [smem:$0x3FB4]  }
0x2d: {  	s3 =	simm.s32 $0x108;
	s8 =	sld [smem:$0x3FB5]  }
0x2e: {  	s3 =	simm.s32 @!p0 $0x1082;
	s9 =	sld [smem:$0x3FB6]  }
0x2f: {  	lr =	sadd.s32 s0, s3;
	s0 =	sld [smem:$0x3FAD]  }
0x30: {  	s3 =	sld [smem:$0x3FB0]  }
0x31: {  	[smem:$0x3FB9] =	sst s10  }
0x32: {  	s10 =	sld [smem:$0x3FB7];
	_ =	sdelay $0x3  }
0x33: {  	p0 =	seq.s32 s10, $0x1;
	s10 =	sld [smem:$0x3FB9];
	_ =	sdelay $0x3  }
0x34: {  	[smem:$0x3FB9] =	sst s10  }
0x35: {  	s10 =	sld [smem:$0x3FB8];
	_ =	sdelay $0x3  }
0x36: {  	p1 =	seq.s32 s10, $0x1;
	s10 =	sld [smem:$0x3FB9];
	_ =	sdelay $0x3  }
0x37: {  	[smem:$0x3FB9] =	sst s10  }
0x38: {  	s10 =	sld [smem:$0x3FBA]  }
0x39: {  	_ = 	snop;
	(pc) =	sbr.ind lr, $3  }
0x3a: {  	_ = 	snop  }
0x3b: {  	_ = 	snop  }
0x3c: {  	p2 =	seq.s32 s10, $0x1;
	s10 =	sld [smem:$0x3FB9]  }
0x3d: {  	_ =	shalt  }
0x3e: {  	_ =	shalt  }
0x3f: {  	_ =	shalt  }
0x40: {  	_ =	shalt  }
0x41: {  	_ =	shalt  }
0x42: {  	_ =	shalt  }
0x43: {  	_ =	shalt  }
0x44: {  	_ =	shalt  }
0x45: {  	_ =	shalt  }
0x46: {  	_ =	shalt  }
0x47: {  	_ =	shalt  }
0x48: {  	_ =	shalt  }
0x49: {  	_ =	shalt  }
0x4a: {  	_ =	shalt  }
0x4b: {  	_ =	shalt  }
0x4c: {  	_ =	shalt  }
0x4d: {  	_ =	shalt  }
0x4e: {  	_ =	shalt  }
0x4f: {  	_ =	shalt  }
0x50: {  	_ =	shalt  }
0x51: {  	_ =	shalt  }
0x52: {  	_ =	shalt  }
0x53: {  	_ =	shalt  }
0x54: {  	_ =	shalt  }
0x55: {  	_ =	shalt  }
0x56: {  	_ =	shalt  }
0x57: {  	_ =	shalt  }
0x58: {  	_ =	shalt  }
0x59: {  	_ =	shalt  }
0x5a: {  	_ =	shalt  }
0x5b: {  	_ =	shalt  }
0x5c: {  	_ =	shalt  }
0x5d: {  	_ =	shalt  }
0x5e: {  	_ =	shalt  }
0x5f: {  	_ =	shalt  }
0x60: {  	_ =	shalt  }
0x61: {  	_ =	shalt  }
0x62: {  	_ =	shalt  }
0x63: {  	_ =	shalt  }
0x64: {  	_ =	shalt  }
0x65: {  	_ =	shalt  }
0x66: {  	_ =	shalt  }
0x67: {  	_ =	shalt  }
0x68: {  	_ =	shalt  }
0x69: {  	_ =	shalt  }
0x6a: {  	_ =	shalt  }
0x6b: {  	_ =	shalt  }
0x6c: {  	_ =	shalt  }
0x6d: {  	_ =	shalt  }
0x6e: {  	_ =	shalt  }
0x6f: {  	_ =	shalt  }
0x70: {  	_ =	shalt  }
0x71: {  	_ =	shalt  }
0x72: {  	_ =	shalt  }
0x73: {  	_ =	shalt  }
0x74: {  	_ =	shalt  }
0x75: {  	_ =	shalt  }
0x76: {  	_ =	shalt  }
0x77: {  	_ =	shalt  }
0x78: {  	_ =	shalt  }
0x79: {  	_ =	shalt  }
0x7a: {  	_ =	shalt  }
0x7b: {  	_ =	shalt  }
0x7c: {  	_ =	shalt  }
0x7d: {  	_ =	shalt  }
0x7e: {  	_ =	shalt  }
0x7f: {  	_ =	shalt  }
0x80: {  	_ =	shalt  }
0x81: {  	_ =	shalt  }
0x82: {  	_ =	shalt  }
0x83: {  	_ =	shalt  }
0x84: {  	_ =	shalt  }
0x85: {  	_ =	shalt  }
0x86: {  	_ =	shalt  }
0x87: {  	_ =	shalt  }
.Lfunc_end0:
.L_simem_size_0:
called_computation_lowered:
.L_overlay_start_0:
0x88: {  	s2 =	sld [smem:$0x3FD9]  }
0x89: {  	s3 =	sld [smem:$0x3FFE];
	_ =	sdelay $0x1  }
0x8a: {  	s1 =	srdreg.scid  }
0x8b: {  	s0 =	sand.u32 $0x1, s1  }
0x8c: {  	s18 =	sshll.u32 s0, $0xA;
	s2 =	sadd.s32 s3, s2  }
0x8d: {  	s2 =	sadd.s32 s2, s18  }
0x8e: {  	[smem:$0x3FC5] =	sst s2  }
0x8f: {  	_ = 	snop  }
0x90: {  	s2 =	sld [smem:$0x3FC9]  }
0x91: {  	s19 =	sld [smem:$0x3FC8]  }
0x92: {  	s4 =	sld [smem:$0x3FC7]  }
0x93: {  	s5 =	sld [smem:$0x3FD0];
	(tm) =	ssettm $0x1  }
0x94: {  	s6 =	sld [smem:$0x3FFB];
	_ =	sdelay $0x3  }
0x95: {  	_ =	strace s6  }
0x96: {  	s6 =	sld [smem:$0x3FFC];
	_ =	sdelay $0x3  }
0x97: {  	_ =	strace s6  }
0x98: {  	s6 =	sld [smem:$0x3FFD];
	_ =	sdelay $0x3  }
0x99: {  	_ =	strace s6  }
0x9a: {  	_ =	strace $0x8FFFFFFF  }
0x9b: {  	s20 =	sld [smem:$0x3FDB];
	_ =	sdelay $0x1  }
0x9c: {  	s7 =	simm.s32 $_scs_section_size  }
0x9d: {  	s8 =	simm.s32 $_size__tile_overlayer_lowered;
	s9 =	simm.s32 $_tile_overlayer_lowered  }
0x9e: {  	s23 =	simm.s32 $0x1BFF;
	s22 =	sshll.u32 s9, $0x1;
	s6 =	sadd.s32 s7, s20  }
0x9f: {  	s10 =	simm.s32 $0x0;
	s21 =	sshll.u32 s8, $0x1;
	s8 =	sadd.s32 s22, s6  }
0xa0: {  	[timem:s10], [sflag:s23] =	dma.local [hbm:s8], s21  }
0xa1: {  	_ =	swait.ge [sflag:s23], s21  }
0xa2: {  	s7 =	ssub.s32 $0x0, s21;
	[sflag:s23] =	ssyncset.done $0x0  }
0xa3: {  	[sflag:s23] =	ssyncadd.s32 s7;
	_ =	sdelay $0x1  }
0xa4: {  	s24 =	simm.s32 $0x1B8B  }
0xa5: {  	_ =	swait.ge [sflag:s24], $0x1  }
0xa6: {  	[sflag:s24] =	ssyncset.done $0x0  }
0xa7: {  	s25 =	simm.s32 $0x1B8E;
	[sflag:s24] =	ssyncadd.s32 $0xFFFFFFFF  }
0xa8: {  	s26 =	simm.s32 $execute0_lowered;
	[smem:$0x3FD2] =	sst s25  }
0xa9: {  	s7 =	sshll.u32 s26, $0x1;
	_ =	strace $0x80000046;
	[dreg:$0x1] =	wrdreg $0xFFFFFFFF  }
0xaa: {  	s28 =	simm.s32 $_size_execute0_lowered;
	s6 =	sadd.s32 s6, s7;
	[dreg:$0x0] =	wrdreg $0x0  }
0xab: {  	s7 =	sshll.u32 s28, $0x1;
	[dreg:$0x2] =	wrdreg s6  }
0xac: {  	[dreg:$0x3] =	wrdreg s7  }
0xad: {  	[dreg:$0x4] =	wrdreg $0xC0  }
0xae: {  	_ =	task [dreg:s10], $0x5FFFF  }
0xaf: {  	[dreg:$0x1] =	wrdreg $0xFFFFFFFF  }
0xb0: {  	[dreg:$0x0] =	wrdreg $0x60  }
0xb1: {  	[dreg:$0x2] =	wrdreg s2  }
0xb2: {  	[dreg:$0x3] =	wrdreg s19  }
0xb3: {  	[dreg:$0x4] =	wrdreg s4  }
0xb4: {  	[dreg:$0x5] =	wrdreg s5  }
0xb5: {  	[dreg:$0x6] =	wrdreg $0xE4800  }
0xb6: {  	[dreg:$0x7] =	wrdreg $0x9  }
0xb7: {  	_ =	task.clear_ibuf [dreg:s10], $0x8FFFF;
	_ =	strace $0x90000046  }
0xb8: {  	s29 =	simm.s32 $0x9;
	_ =	strace $0x80000048  }
0xb9: {  	_ =	swait.ge [sflag:s29], $0x1  }
0xba: {  	[sflag:s29] =	ssyncadd.s32 $0xFFFFFFFF  }
0xbb: {  	_ =	strace $0x90000048  }
0xbc: {  	_ =	sfence  }
0xbd: {  	s30 =	sld [smem:$0x0];
	_ =	sdelay $0x2  }
0xbe: {  	s31 =	sshll.u32 s1, $0xD;
	s1 =	sshrl.u32 s1, $0x2  }
0xbf: {  	s3 =	sand.u32 $0x4000, s31;
	s1 =	sadd.s32 s1, s30  }
0xc0: {  	s0 =	sor.u32 s3, s0;
	s1 =	sshll.u32 s1, $0x11  }
0xc1: {  	s0 =	sor.u32 s1, s0  }
0xc2: {  	s0 =	sadd.s32 $0x8F2B, s0  }
0xc3: {  	[sflag:s0] =	ssyncadd.remote.s32 $0x1  }
0xc4: {  	_ =	sfence.sel $0xFFFF  }
0xc5: {  	[dreg:$0x0] =	wrdreg $0xFFFFFFFF;
	(pc) =	sbr.abs _section_cstart, $3  }
0xc6: {  	[dreg:$0x1] =	wrdreg $0xFFFFFFFF  }
0xc7: {  	_ =	task.clear_ibuf [dreg:s10], $0x2FFFF;
	_ =	strace $0x9FFFFFFF  }
0xc8: {  	(tm) =	ssettm $0x7FFFFFFF  }
0xc9: {  	_ =	shalt  }
tec
execute0_lowered:
.L_overlay_start_1:
0x0: {  	(tag) =	ssettag $0x1  }
0x1: {  	s5 =	rddreg [dreg:$0x0]  }
0x2: {  	s0 =	rddreg [dreg:$0x1]  }
0x3: {  	s2 =	srdreg.scid;
	s1 =	rddreg [dreg:$0x2]  }
0x4: {  	s9 =	stileid.u32;
	s7 =	rddreg [dreg:$0x3]  }
0x5: {  	s3 =	rddreg [dreg:$0x4];
	s4 =	simm.s32 $0x0;
	s11 =	simm.s32 $0x5  }
0x6: {  	s12 =	simm.s32 $0xE00;
	s13 =	simm.s32 $0xD600;
	s14 =	simm.s32 $0x3  }
0x7: {  	s15 =	simm.s32 $0xE400;
	s16 =	simm.s32 $0x1;
	s17 =	simm.s32 $0x6400  }
0x8: {  	s18 =	simm.s32 $0x2;
	s6 =	sand.u32 $0x1, s2;
	s31 =	sshll.u32 s9, $0x1  }
0x9: {  	s19 =	simm.s32 $0x4;
	s20 =	simm.s32 $0x0;
	s2 =	sor.u32 s6, s31  }
0xa: {  	[smem:$0x7FF] =	sst s4;
	p0 =	sne.s32 s9, $0x0;
	s8 =	smul.u32 $0x6400, s2  }
0xb: {  	s9 =	simm.s32 $0x2000;
	s6 =	ssub.s32 $0x2, s6;
	s2 =	rddreg [dreg:$0x5]  }
0xc: {  	s10 =	sshrl.u32 s6, $0x1;
	_ =	strace $0x80000047;
	s8 =	sshrl.u32 s8, $0x3  }
0xd: {  	s10 =	ssub.s32 s6, s10;
	s5 =	sadd.s32 s5, s8;
	s7 =	sadd.s32 s7, s8  }
0xe: {  	s8 =	smax.u32 s10, $0x1;
	s10 =	simm.s32 $0xC800;
	s6 =	sadd.s32 $0x400, s5  }
.LBB2_1:
.Ltmp0:
0xf: {  	(pc) =	sbr.rel @p0 .LBB2_3-.Ltmp0, $4  }
0x10: {  	_ = 	snop  }
0x11: {  	[tilespmem:s4], [sflag:$0x1] =	stream.linear.gather [hbm4b:s5+s4], $0x2000, $0x38;
	[tilespmem:$0xE488] =	vst v63  }
0x12: {  	_ = 	snop  }
0x13: {  	[tilespmem:s9], [sflag:$0x2] =	stream.linear.gather [hbm4b:s6+s4], $0x4400, $0x38;
	[tilespmem:$0xE488] =	vst v63  }
0x14: {  	[tilespmem:s10], [sflag:$0x5] =	stream.linear.gather [hbm4b:s1+s4], $0xE00, $0x38;
	[tilespmem:$0xE488] =	vst v63  }
0x15: {  	_ =	swait.ge [sflag:s11], $0xE00  }
0x16: {  	[sflag:s11] =	ssyncset.done $0x0  }
0x17: {  	[sflag:s11] =	ssyncadd.s32 $0xFFFFF200  }
0x18: {  	[tilespmem:s13], [sflag:$0x3] =	stream.indirect.gather [hbm4b:s0+s12], $0x1, s10, s12, $0xb8;
	[tilespmem:$0xE488] =	vst v63  }
0x19: {  	_ =	swait.ge [sflag:s14], $0xE00  }
0x1a: {  	[sflag:s14] =	ssyncset.done $0x0  }
0x1b: {  	[sflag:s14] =	ssyncadd.s32 $0xFFFFF200  }
0x1c: {  	v24 =	vld [tilespmem:$0xD600]  }
0x1d: {  	v23 =	vld [tilespmem:$0xD670]  }
0x1e: {  	v28 =	vld [tilespmem:$0xD6E0]  }
0x1f: {  	v32 =	vld [tilespmem:$0xD750]  }
0x20: {  	v35 =	vld [tilespmem:$0xD7C0]  }
0x21: {  	v38 =	vld [tilespmem:$0xD830]  }
0x22: {  	v41 =	vld [tilespmem:$0xD8A0]  }
0x23: {  	v44 =	vld [tilespmem:$0xD910]  }
0x24: {  	v47 =	vld [tilespmem:$0xD980]  }
0x25: {  	v50 =	vld [tilespmem:$0xD9F0]  }
0x26: {  	v53 =	vld [tilespmem:$0xDA60]  }
0x27: {  	v56 =	vld [tilespmem:$0xDAD0]  }
0x28: {  	v59 =	vld [tilespmem:$0xDB40]  }
0x29: {  	v62 =	vld [tilespmem:$0xDBB0]  }
0x2a: {  	v0 =	vld [tilespmem:$0xDC20]  }
0x2b: {  	v10 =	vld [tilespmem:$0xDC90]  }
0x2c: {  	v11 =	vld [tilespmem:$0xDD00]  }
0x2d: {  	v12 =	vld [tilespmem:$0xDD70]  }
0x2e: {  	v13 =	vld [tilespmem:$0xDDE0]  }
0x2f: {  	v14 =	vld [tilespmem:$0xDE50]  }
0x30: {  	v15 =	vld [tilespmem:$0xDEC0]  }
0x31: {  	v16 =	vld [tilespmem:$0xDF30]  }
0x32: {  	v17 =	vld [tilespmem:$0xDFA0]  }
0x33: {  	v18 =	vld [tilespmem:$0xE010]  }
0x34: {  	v19 =	vld [tilespmem:$0xE080]  }
0x35: {  	v20 =	vld [tilespmem:$0xE0F0]  }
0x36: {  	v21 =	vld [tilespmem:$0xE160]  }
0x37: {  	v22 =	vld [tilespmem:$0xE1D0]  }
0x38: {  	v25 =	vld [tilespmem:$0xE240]  }
0x39: {  	v26 =	vld [tilespmem:$0xE2B0]  }
0x3a: {  	v27 =	vld [tilespmem:$0xE320]  }
0x3b: {  	v29 =	vld [tilespmem:$0xE390]  }
0x3c: {  	v31 =	vld [tilespmem:$0xDA70]  }
0x3d: {  	v34 =	vld [tilespmem:$0xDAE0]  }
0x3e: {  	v37 =	vld [tilespmem:$0xDB50]  }
0x3f: {  	v40 =	vld [tilespmem:$0xDBC0]  }
0x40: {  	v43 =	vld [tilespmem:$0xDC30]  }
0x41: {  	v46 =	vld [tilespmem:$0xDCA0]  }
0x42: {  	v49 =	vld [tilespmem:$0xDD10]  }
0x43: {  	v52 =	vld [tilespmem:$0xDD80]  }
0x44: {  	v55 =	vld [tilespmem:$0xDDF0]  }
0x45: {  	v58 =	vld [tilespmem:$0xDE60]  }
0x46: {  	v61 =	vld [tilespmem:$0xDED0]  }
0x47: {  	v30 =	vld [tilespmem:$0xDF40]  }
0x48: {  	v33 =	vld [tilespmem:$0xDFB0]  }
0x49: {  	v36 =	vld [tilespmem:$0xE020]  }
0x4a: {  	v39 =	vld [tilespmem:$0xE090]  }
0x4b: {  	v42 =	vld [tilespmem:$0xE100]  }
0x4c: {  	v45 =	vld [tilespmem:$0xE170]  }
0x4d: {  	v48 =	vld [tilespmem:$0xE1E0]  }
0x4e: {  	v51 =	vld [tilespmem:$0xE250]  }
0x4f: {  	v54 =	vld [tilespmem:$0xE2C0]  }
0x50: {  	v57 =	vld [tilespmem:$0xE330]  }
0x51: {  	v60 =	vld [tilespmem:$0xE3A0]  }
0x52: {  	v1 =	vld [tilespmem:$0xD620]  }
0x53: {  	v2 =	vld [tilespmem:$0xD700]  }
0x54: {  	v3 =	vld [tilespmem:$0xD770]  }
0x55: {  	v4 =	vld [tilespmem:$0xD7E0]  }
0x56: {  	v5 =	vld [tilespmem:$0xD850]  }
0x57: {  	v6 =	vld [tilespmem:$0xD8C0]  }
0x58: {  	v7 =	vld [tilespmem:$0xD930]  }
0x59: {  	v8 =	vld [tilespmem:$0xD9A0]  }
0x5a: {  	v9 =	vld [tilespmem:$0xDA10]  }
0x5b: {  	v63 =	vld [tilespmem:$0xE260]  }
0x5c: {  	[tilespmem:$0x1FE00] =	vst v27;
	v27 =	vld [tilespmem:$0xD610]  }
0x5d: {  	[tilespmem:$0x1FE30] =	vst v29;
	v29 =	vld [tilespmem:$0xD680]  }
0x5e: {  	[tilespmem:$0x1FC70] =	vst v10;
	v10 =	vld [tilespmem:$0xD6F0]  }
0x5f: {  	[tilespmem:$0x1FC90] =	vst v12;
	v12 =	vld [tilespmem:$0xD760]  }
0x60: {  	[tilespmem:$0x1FCB0] =	vst v14;
	v14 =	vld [tilespmem:$0xD7D0]  }
0x61: {  	[tilespmem:$0x1FCD0] =	vst v16;
	v16 =	vld [tilespmem:$0xD840]  }
0x62: {  	[tilespmem:$0x1FD10] =	vst v18;
	v18 =	vld [tilespmem:$0xD8B0]  }
0x63: {  	[tilespmem:$0x1FD50] =	vst v20;
	v20 =	vld [tilespmem:$0xD920]  }
0x64: {  	[tilespmem:$0x1FD90] =	vst v22;
	v22 =	vld [tilespmem:$0xD990]  }
0x65: {  	[tilespmem:$0x1FDD0] =	vst v26;
	v26 =	vld [tilespmem:$0xDA00]  }
0x66: {  	[tilespmem:$0x1FDE0] =	vst v63;
	v63 =	vld [tilespmem:$0xE2D0]  }
0x67: {  	[tilespmem:$0x1FC60] =	vst v0;
	v0 =	vld [tilespmem:$0xD690]  }
0x68: {  	[tilespmem:$0x1FC80] =	vst v11;
	v11 =	vld [tilespmem:$0xDA80]  }
0x69: {  	[tilespmem:$0x1FCA0] =	vst v13;
	v13 =	vld [tilespmem:$0xDAF0]  }
0x6a: {  	[tilespmem:$0x1FCC0] =	vst v15;
	v15 =	vld [tilespmem:$0xDB60]  }
0x6b: {  	[tilespmem:$0x1FE10] =	vst v63;
	v63 =	vld [tilespmem:$0xE340]  }
0x6c: {  	[tilespmem:$0x1FCF0] =	vst v17;
	v17 =	vld [tilespmem:$0xDBD0]  }
0x6d: {  	[tilespmem:$0x1FD30] =	vst v19;
	v19 =	vld [tilespmem:$0xDC40]  }
0x6e: {  	[tilespmem:$0x1FD70] =	vst v21;
	v21 =	vld [tilespmem:$0xDCB0]  }
0x6f: {  	[tilespmem:$0x1FDB0] =	vst v25;
	v25 =	vld [tilespmem:$0xDD20]  }
0x70: {  	[tilespmem:$0x1FE40] =	vst v63;
	v63 =	vld [tilespmem:$0xE3B0]  }
0x71: {  	[tilespmem:$0x1FCE0] =	vst v30;
	v30 =	vld [tilespmem:$0xDD90]  }
0x72: {  	[tilespmem:$0x1FD00] =	vst v33;
	v33 =	vld [tilespmem:$0xDE00]  }
0x73: {  	[tilespmem:$0x1FD20] =	vst v36;
	v36 =	vld [tilespmem:$0xDE70]  }
0x74: {  	[tilespmem:$0x1FD40] =	vst v39;
	v39 =	vld [tilespmem:$0xDEE0]  }
0x75: {  	[tilespmem:$0x1FE80] =	vst v63;
	v63 =	vld [tilespmem:$0xD630]  }
0x76: {  	[tilespmem:$0x1FD60] =	vst v42;
	v42 =	vld [tilespmem:$0xDF50]  }
0x77: {  	[tilespmem:$0x1FD80] =	vst v45;
	v45 =	vld [tilespmem:$0xDFC0]  }
0x78: {  	[tilespmem:$0x1FDA0] =	vst v48;
	v48 =	vld [tilespmem:$0xE030]  }
0x79: {  	[tilespmem:$0x1FDC0] =	vst v51;
	v51 =	vld [tilespmem:$0xE0A0]  }
0x7a: {  	v23 =	vadd.f32 v23, v24;
	[tilespmem:$0x1FE60] =	vst v63;
	v63 =	vld [tilespmem:$0xD6A0]  }
0x7b: {  	[tilespmem:$0x1FDF0] =	vst v54;
	v54 =	vld [tilespmem:$0xE110]  }
0x7c: {  	[tilespmem:$0x1FE20] =	vst v57;
	v57 =	vld [tilespmem:$0xE180];
	v28 =	vadd.f32 v28, v23  }
0x7d: {  	[tilespmem:$0x1FE50] =	vst v60;
	v60 =	vld [tilespmem:$0xE1F0]  }
0x7e: {  	v23 =	vld [tilespmem:$0xDB00];
	v32 =	vadd.f32 v32, v28  }
0x7f: {  	v0 =	vadd.f32 v0, v1;
	[tilespmem:$0x1FE70] =	vst v63;
	v63 =	vld [tilespmem:$0xD710]  }
0x80: {  	v28 =	vadd.f32 v35, v32;
	v32 =	vld [tilespmem:$0xDC50]  }
0x81: {  	v35 =	vld [tilespmem:$0xDCC0];
	v0 =	vadd.f32 v2, v0  }
0x82: {  	v2 =	vadd.f32 v38, v28;
	v28 =	vld [tilespmem:$0xE120]  }
0x83: {  	v38 =	vld [tilespmem:$0x1FC70];
	v0 =	vadd.f32 v3, v0  }
0x84: {  	[tilespmem:$0x1FE90] =	vst v63;
	v63 =	vld [tilespmem:$0xD780]  }
0x85: {  	v2 =	vadd.f32 v41, v2;
	v41 =	vld [tilespmem:$0x1FC90];
	v0 =	vadd.f32 v4, v0  }
0x86: {  	[tilespmem:$0x1FF20] =	vst v32;
	v32 =	vld [tilespmem:$0xE190]  }
0x87: {  	[tilespmem:$0x1FF30] =	vst v35;
	v35 =	vld [tilespmem:$0xE200];
	v0 =	vadd.f32 v5, v0  }
0x88: {  	v2 =	vadd.f32 v44, v2;
	v44 =	vld [tilespmem:$0x1FCB0]  }
0x89: {  	v0 =	vadd.f32 v6, v0;
	[tilespmem:$0x1FEA0] =	vst v63;
	v63 =	vld [tilespmem:$0xD7F0]  }
0x8a: {  	[tilespmem:$0x1FFD0] =	vst v28;
	v28 =	vld [tilespmem:$0xD6B0];
	v2 =	vadd.f32 v47, v2  }
0x8b: {  	v6 =	vld [tilespmem:$0xDD40];
	v0 =	vadd.f32 v7, v0  }
0x8c: {  	v2 =	vadd.f32 v50, v2;
	v50 =	vld [tilespmem:$0xE350]  }
0x8d: {  	[tilespmem:$0x1FFE0] =	vst v32;
	v32 =	vld [tilespmem:$0xD790];
	v0 =	vadd.f32 v8, v0  }
0x8e: {  	[tilespmem:$0x1FEB0] =	vst v63;
	v63 =	vld [tilespmem:$0xD860]  }
0x8f: {  	[tilespmem:$0x1FFF0] =	vst v35;
	v35 =	vld [tilespmem:$0xD870];
	v0 =	vadd.f32 v9, v0  }
0x90: {  	v2 =	vadd.f32 v53, v2;
	v53 =	vld [tilespmem:$0xE2E0]  }
0x91: {  	v8 =	vld [tilespmem:$0xDB80];
	v0 =	vadd.f32 v11, v0  }
0x92: {  	v2 =	vadd.f32 v56, v2;
	v56 =	vld [tilespmem:$0xE270]  }
0x93: {  	v0 =	vadd.f32 v13, v0;
	[tilespmem:$0x1FEC0] =	vst v63;
	v63 =	vld [tilespmem:$0xD8D0]  }
0x94: {  	v9 =	vld [tilespmem:$0xE280]  }
0x95: {  	v2 =	vadd.f32 v59, v2;
	v59 =	vld [tilespmem:$0x1FD00];
	v0 =	vadd.f32 v15, v0  }
0x96: {  	v11 =	vld [tilespmem:$0xE1A0]  }
0x97: {  	v2 =	vadd.f32 v62, v2;
	v62 =	vld [tilespmem:$0x1FD20];
	v0 =	vadd.f32 v17, v0  }
0x98: {  	[tilespmem:$0x1FED0] =	vst v63;
	v63 =	vld [tilespmem:$0xD940]  }
0x99: {  	v13 =	vld [tilespmem:$0x1FD50];
	v0 =	vadd.f32 v19, v0  }
0x9a: {  	v15 =	vld [tilespmem:$0x1FD60]  }
0x9b: {  	v17 =	vld [tilespmem:$0x1FD70];
	v0 =	vadd.f32 v21, v0  }
0x9c: {  	v19 =	vld [tilespmem:$0x1FD80]  }
0x9d: {  	v0 =	vadd.f32 v25, v0;
	[tilespmem:$0x1FEE0] =	vst v63;
	v63 =	vld [tilespmem:$0xD9B0]  }
0x9e: {  	v21 =	vld [tilespmem:$0xD8E0]  }
0x9f: {  	v25 =	vld [tilespmem:$0xD9C0];
	v0 =	vadd.f32 v30, v0  }
0xa0: {  	v30 =	vld [tilespmem:$0xDAA0]  }
0xa1: {  	v0 =	vadd.f32 v33, v0;
	v33 =	vld [tilespmem:$0x1FD90]  }
0xa2: {  	[tilespmem:$0x1FEF0] =	vst v63;
	v63 =	vadd.f32 v29, v27;
	v29 =	vld [tilespmem:$0xDA20]  }
0xa3: {  	v27 =	vld [tilespmem:$0xDA90]  }
0xa4: {  	v24 =	vadd.f32 v10, v63;
	v63 =	vld [tilespmem:$0xDB70]  }
0xa5: {  	v10 =	vld [tilespmem:$0xDDA0]  }
0xa6: {  	v1 =	vadd.f32 v12, v24;
	v24 =	vld [tilespmem:$0xDBE0]  }
0xa7: {  	v12 =	vld [tilespmem:$0xDE10]  }
0xa8: {  	v1 =	vadd.f32 v14, v1;
	v14 =	vld [tilespmem:$0xDE80]  }
0xa9: {  	[tilespmem:$0x1FF00] =	vst v63;
	v63 =	vld [tilespmem:$0xDD30]  }
0xaa: {  	[tilespmem:$0x1FF50] =	vst v10;
	v10 =	vld [tilespmem:$0xE210]  }
0xab: {  	v1 =	vadd.f32 v16, v1;
	v16 =	vld [tilespmem:$0xDEF0]  }
0xac: {  	[tilespmem:$0x1FF10] =	vst v24;
	v24 =	vld [tilespmem:$0xE0B0]  }
0xad: {  	[tilespmem:$0x1FF60] =	vst v12;
	v12 =	vld [tilespmem:$0x1FD40]  }
0xae: {  	v1 =	vadd.f32 v18, v1;
	v18 =	vld [tilespmem:$0xDF60]  }
0xaf: {  	[tilespmem:$0x1FF70] =	vst v14;
	v14 =	vld [tilespmem:$0xE050]  }
0xb0: {  	v1 =	vadd.f32 v20, v1;
	v20 =	vld [tilespmem:$0xDFD0]  }
0xb1: {  	[tilespmem:$0x1FF40] =	vst v63;
	v63 =	vld [tilespmem:$0x1FD30]  }
0xb2: {  	[tilespmem:$0x1FF80] =	vst v16;
	v16 =	vld [tilespmem:$0xDFE0];
	v1 =	vadd.f32 v22, v1  }
0xb3: {  	v22 =	vld [tilespmem:$0xE040]  }
0xb4: {  	v1 =	vadd.f32 v26, v1;
	v26 =	vld [tilespmem:$0xD640]  }
0xb5: {  	[tilespmem:$0x1FFC0] =	vst v24;
	v24 =	vld [tilespmem:$0xDF00]  }
0xb6: {  	v1 =	vadd.f32 v31, v1;
	v31 =	vld [tilespmem:$0xD720]  }
0xb7: {  	[tilespmem:$0x1FF90] =	vst v18;
	v18 =	vld [tilespmem:$0xDE90]  }
0xb8: {  	[tilespmem:$0x1FFA0] =	vst v20;
	v20 =	vld [tilespmem:$0xDE20];
	v1 =	vadd.f32 v34, v1  }
0xb9: {  	[tilespmem:$0x1FFB0] =	vst v22;
	v22 =	vld [tilespmem:$0xDF70];
	v26 =	vadd.f32 v28, v26  }
0xba: {  	v1 =	vadd.f32 v37, v1;
	v37 =	vld [tilespmem:$0x1FC60]  }
0xbb: {  	v34 =	vld [tilespmem:$0xD800];
	v26 =	vadd.f32 v31, v26  }
0xbc: {  	v1 =	vadd.f32 v40, v1;
	v40 =	vld [tilespmem:$0x1FC80]  }
0xbd: {  	v26 =	vadd.f32 v32, v26;
	v32 =	vld [tilespmem:$0xE070]  }
0xbe: {  	v1 =	vadd.f32 v43, v1;
	v43 =	vld [tilespmem:$0x1FCA0]  }
0xbf: {  	v2 =	vadd.f32 v37, v2;
	v37 =	vld [tilespmem:$0xD950]  }
0xc0: {  	v26 =	vadd.f32 v34, v26;
	v34 =	vld [tilespmem:$0xDC70]  }
0xc1: {  	v1 =	vadd.f32 v46, v1;
	v46 =	vld [tilespmem:$0x1FCC0]  }
0xc2: {  	v2 =	vadd.f32 v38, v2;
	v38 =	vld [tilespmem:$0xDA30]  }
0xc3: {  	v26 =	vadd.f32 v35, v26;
	v35 =	vld [tilespmem:$0x1FF10]  }
0xc4: {  	v1 =	vadd.f32 v49, v1;
	v49 =	vadd.f32 v36, v0;
	v0 =	vld [tilespmem:$0xDCD0]  }
0xc5: {  	v36 =	vld [tilespmem:$0x1FDA0]  }
0xc6: {  	v2 =	vadd.f32 v40, v2;
	v40 =	vld [tilespmem:$0xDB10]  }
0xc7: {  	v1 =	vadd.f32 v52, v1;
	v52 =	vld [tilespmem:$0x1FCD0]  }
0xc8: {  	v5 =	vadd.f32 v39, v49;
	v39 =	vld [tilespmem:$0x1FDB0]  }
0xc9: {  	v49 =	vld [tilespmem:$0xD660]  }
0xca: {  	v2 =	vadd.f32 v41, v2;
	v1 =	vadd.f32 v55, v1;
	v55 =	vld [tilespmem:$0x1FCE0]  }
0xcb: {  	v21 =	vadd.f32 v21, v26;
	v5 =	vadd.f32 v42, v5;
	v42 =	vld [tilespmem:$0x1FDC0]  }
0xcc: {  	v2 =	vadd.f32 v43, v2;
	v43 =	vld [tilespmem:$0x1FDD0]  }
0xcd: {  	v21 =	vadd.f32 v37, v21;
	v1 =	vadd.f32 v58, v1;
	v58 =	vld [tilespmem:$0x1FCF0]  }
0xce: {  	v5 =	vadd.f32 v45, v5;
	v45 =	vld [tilespmem:$0x1FDF0]  }
0xcf: {  	v21 =	vadd.f32 v25, v21;
	v3 =	vadd.f32 v44, v2;
	v2 =	vld [tilespmem:$0xDBF0]  }
0xd0: {  	v44 =	vld [tilespmem:$0x1FDE0]  }
0xd1: {  	v21 =	vadd.f32 v38, v21;
	v38 =	vld [tilespmem:$0xDCE0]  }
0xd2: {  	v1 =	vadd.f32 v61, v1;
	v61 =	vld [tilespmem:$0x1FD10]  }
0xd3: {  	v5 =	vadd.f32 v48, v5;
	v48 =	vld [tilespmem:$0x1FE10]  }
0xd4: {  	v4 =	vadd.f32 v46, v3;
	v3 =	vld [tilespmem:$0xDC60]  }
0xd5: {  	v46 =	vld [tilespmem:$0x1FE00]  }
0xd6: {  	v21 =	vadd.f32 v30, v21;
	v30 =	vld [tilespmem:$0xE060]  }
0xd7: {  	v7 =	vadd.f32 v55, v1;
	v1 =	vld [tilespmem:$0xDDB0]  }
0xd8: {  	v5 =	vadd.f32 v51, v5;
	v51 =	vld [tilespmem:$0x1FE20]  }
0xd9: {  	v55 =	vld [tilespmem:$0x1FE40]  }
0xda: {  	v4 =	vadd.f32 v52, v4;
	v52 =	vld [tilespmem:$0xD6D0]  }
0xdb: {  	v21 =	vadd.f32 v40, v21;
	v40 =	vld [tilespmem:$0xDCF0]  }
0xdc: {  	v5 =	vadd.f32 v54, v5;
	v54 =	vld [tilespmem:$0x1FE30]  }
0xdd: {  	v7 =	vadd.f32 v59, v7;
	v59 =	vld [tilespmem:$0x1FE60]  }
0xde: {  	v4 =	vadd.f32 v58, v4;
	v58 =	vld [tilespmem:$0x1FE50]  }
0xdf: {  	v5 =	vadd.f32 v57, v5;
	v57 =	vld [tilespmem:$0xD730]  }
0xe0: {  	v7 =	vadd.f32 v62, v7;
	v62 =	vld [tilespmem:$0x1FE80]  }
0xe1: {  	v4 =	vadd.f32 v61, v4;
	v61 =	vld [tilespmem:$0xD740]  }
0xe2: {  	v7 =	vadd.f32 v12, v7;
	v12 =	vld [tilespmem:$0xE130]  }
0xe3: {  	v41 =	vadd.f32 v60, v5;
	v5 =	vld [tilespmem:$0xE360]  }
0xe4: {  	v60 =	vld [tilespmem:$0x1FE70]  }
0xe5: {  	v49 =	vadd.f32 v52, v49;
	v52 =	vld [tilespmem:$0x1FEA0];
	v4 =	vadd.f32 v63, v4  }
0xe6: {  	v63 =	vld [tilespmem:$0xD7A0]  }
0xe7: {  	v7 =	vadd.f32 v15, v7;
	v4 =	vadd.f32 v13, v4;
	v13 =	vld [tilespmem:$0xE0C0]  }
0xe8: {  	v31 =	vadd.f32 v61, v49;
	v61 =	vld [tilespmem:$0xD900]  }
0xe9: {  	v7 =	vadd.f32 v19, v7;
	v49 =	vld [tilespmem:$0x1FEF0]  }
0xea: {  	v19 =	vadd.f32 v44, v41;
	v44 =	vadd.f32 v60, v59;
	v59 =	vld [tilespmem:$0xD8F0]  }
0xeb: {  	v60 =	vld [tilespmem:$0x1FEC0]  }
0xec: {  	v15 =	vadd.f32 v36, v7;
	v7 =	vld [tilespmem:$0xE2F0]  }
0xed: {  	v4 =	vadd.f32 v17, v4;
	v36 =	vld [tilespmem:$0xD6C0]  }
0xee: {  	v19 =	vadd.f32 v48, v19;
	v48 =	vld [tilespmem:$0xD7B0]  }
0xef: {  	v4 =	vadd.f32 v33, v4;
	v33 =	vld [tilespmem:$0xD650]  }
0xf0: {  	v15 =	vadd.f32 v42, v15;
	v42 =	vadd.f32 v55, v19;
	v55 =	vld [tilespmem:$0xD880]  }
0xf1: {  	v17 =	vadd.f32 v39, v4;
	v4 =	vld [tilespmem:$0xE3D0]  }
0xf2: {  	v39 =	vld [tilespmem:$0x1FF20]  }
0xf3: {  	v15 =	vadd.f32 v45, v15;
	v45 =	vld [tilespmem:$0x1FEE0]  }
0xf4: {  	v17 =	vadd.f32 v43, v17;
	v31 =	vadd.f32 v48, v31;
	v48 =	vld [tilespmem:$0xDA40]  }
0xf5: {  	v15 =	vadd.f32 v51, v15;
	v33 =	vadd.f32 v36, v33;
	v51 =	vld [tilespmem:$0xD810]  }
0xf6: {  	v17 =	vadd.f32 v46, v17;
	v46 =	vld [tilespmem:$0x1FE90]  }
0xf7: {  	v33 =	vadd.f32 v57, v33;
	v57 =	vld [tilespmem:$0x1FEB0]  }
0xf8: {  	v19 =	vadd.f32 v58, v15;
	v58 =	vld [tilespmem:$0xD890]  }
0xf9: {  	v15 =	vadd.f32 v62, v42;
	v62 =	vld [tilespmem:$0xD960]  }
0xfa: {  	v17 =	vadd.f32 v54, v17;
	v54 =	vld [tilespmem:$0xD820]  }
0xfb: {  	v28 =	vadd.f32 v63, v33;
	v63 =	vld [tilespmem:$0x1FED0]  }
0xfc: {  	v42 =	vadd.f32 v46, v44;
	v44 =	vld [tilespmem:$0xD9D0]  }
0xfd: {  	v46 =	vld [tilespmem:$0xD9E0]  }
0xfe: {  	v28 =	vadd.f32 v51, v28;
	v51 =	vld [tilespmem:$0xDA50]  }
0xff: {  	v41 =	vadd.f32 v52, v42;
	v42 =	vld [tilespmem:$0xD970]  }
0x100: {  	v31 =	vadd.f32 v54, v31;
	v54 =	vld [tilespmem:$0xDAB0]  }
0x101: {  	v28 =	vadd.f32 v55, v28;
	v55 =	vld [tilespmem:$0xDAC0]  }
0x102: {  	v41 =	vadd.f32 v57, v41;
	v57 =	vld [tilespmem:$0xDB20]  }
0x103: {  	v43 =	vadd.f32 v58, v31;
	v58 =	vld [tilespmem:$0xDB30]  }
0x104: {  	v28 =	vadd.f32 v59, v28;
	v59 =	vld [tilespmem:$0xDB90]  }
0x105: {  	v31 =	vld [tilespmem:$0x1FFA0]  }
0x106: {  	v36 =	vadd.f32 v60, v41;
	v26 =	vadd.f32 v61, v43;
	v60 =	vld [tilespmem:$0xDBA0]  }
0x107: {  	v28 =	vadd.f32 v62, v28;
	v61 =	vld [tilespmem:$0xDC00]  }
0x108: {  	v62 =	vld [tilespmem:$0x1FF00];
	v36 =	vadd.f32 v63, v36;
	v52 =	vadd.f32 v42, v26  }
0x109: {  	v43 =	vld [tilespmem:$0x1FF30]  }
0x10a: {  	v63 =	vld [tilespmem:$0xDC10];
	v33 =	vadd.f32 v45, v36;
	v25 =	vadd.f32 v46, v52  }
0x10b: {  	v28 =	vadd.f32 v44, v28;
	v42 =	vld [tilespmem:$0xDD50]  }
0x10c: {  	v44 =	vld [tilespmem:$0xDD60];
	v33 =	vadd.f32 v49, v33;
	v25 =	vadd.f32 v51, v25  }
0x10d: {  	v8 =	vadd.f32 v8, v21;
	v28 =	vadd.f32 v48, v28;
	v36 =	vld [tilespmem:$0xDC80]  }
0x10e: {  	v46 =	vld [tilespmem:$0xDDC0];
	v29 =	vadd.f32 v29, v33;
	v25 =	vadd.f32 v55, v25  }
0x10f: {  	v2 =	vadd.f32 v2, v8;
	v48 =	vld [tilespmem:$0x1FF40];
	v26 =	vadd.f32 v54, v28  }
0x110: {  	v52 =	vld [tilespmem:$0x1FF50];
	v27 =	vadd.f32 v27, v29;
	v33 =	vadd.f32 v58, v25  }
0x111: {  	v2 =	vadd.f32 v3, v2;
	v49 =	vld [tilespmem:$0xDDD0];
	v26 =	vadd.f32 v57, v26  }
0x112: {  	v51 =	vld [tilespmem:$0xDE30];
	v23 =	vadd.f32 v23, v27;
	v37 =	vadd.f32 v60, v33  }
0x113: {  	v0 =	vadd.f32 v0, v2;
	v54 =	vld [tilespmem:$0xDE40];
	v26 =	vadd.f32 v59, v26  }
0x114: {  	v28 =	vld [tilespmem:$0x1FF90];
	v23 =	vadd.f32 v62, v23;
	v41 =	vadd.f32 v63, v37  }
0x115: {  	v0 =	vadd.f32 v6, v0;
	v57 =	vld [tilespmem:$0xDEA0];
	v26 =	vadd.f32 v61, v26  }
0x116: {  	v58 =	vld [tilespmem:$0x1FF60];
	v23 =	vadd.f32 v35, v23;
	v45 =	vadd.f32 v36, v41  }
0x117: {  	v0 =	vadd.f32 v1, v0;
	v59 =	vld [tilespmem:$0xDEB0];
	v25 =	vadd.f32 v34, v26  }
0x118: {  	v29 =	vld [tilespmem:$0xE000];
	v23 =	vadd.f32 v39, v23;
	v2 =	vadd.f32 v40, v45  }
0x119: {  	v0 =	vadd.f32 v20, v0;
	v60 =	vld [tilespmem:$0xDF10];
	v21 =	vadd.f32 v38, v25  }
0x11a: {  	v61 =	vld [tilespmem:$0x1FF70];
	v23 =	vadd.f32 v43, v23;
	v55 =	vadd.f32 v44, v2  }
0x11b: {  	v0 =	vadd.f32 v18, v0;
	v27 =	vld [tilespmem:$0xDFF0];
	v8 =	vadd.f32 v42, v21  }
0x11c: {  	v33 =	vld [tilespmem:$0xE0D0];
	v23 =	vadd.f32 v48, v23;
	v1 =	vadd.f32 v49, v55  }
0x11d: {  	v0 =	vadd.f32 v24, v0;
	v62 =	vld [tilespmem:$0xDF20];
	v3 =	vadd.f32 v46, v8  }
0x11e: {  	v26 =	vld [tilespmem:$0xDF90];
	v23 =	vadd.f32 v52, v23;
	v1 =	vadd.f32 v54, v1  }
0x11f: {  	v0 =	vadd.f32 v22, v0;
	v25 =	vld [tilespmem:$0x1FF80];
	v3 =	vadd.f32 v51, v3  }
0x120: {  	v63 =	vld [tilespmem:$0xDF80];
	v23 =	vadd.f32 v58, v23;
	v1 =	vadd.f32 v59, v1  }
0x121: {  	v0 =	vadd.f32 v16, v0;
	v34 =	vld [tilespmem:$0x1FFB0];
	v2 =	vadd.f32 v57, v3  }
0x122: {  	v37 =	vld [tilespmem:$0x1FFC0];
	v23 =	vadd.f32 v61, v23;
	v1 =	vadd.f32 v62, v1  }
0x123: {  	v0 =	vadd.f32 v14, v0;
	v35 =	vld [tilespmem:$0xE0E0];
	v2 =	vadd.f32 v60, v2  }
0x124: {  	v36 =	vld [tilespmem:$0xE140];
	v21 =	vadd.f32 v25, v23;
	v1 =	vadd.f32 v26, v1  }
0x125: {  	v0 =	vadd.f32 v13, v0;
	v38 =	vld [tilespmem:$0xE150];
	v2 =	vadd.f32 v63, v2  }
0x126: {  	v41 =	vld [tilespmem:$0xE1C0];
	v21 =	vadd.f32 v28, v21;
	v1 =	vadd.f32 v29, v1  }
0x127: {  	v0 =	vadd.f32 v12, v0;
	v39 =	vld [tilespmem:$0xE1B0];
	v2 =	vadd.f32 v27, v2  }
0x128: {  	v40 =	vld [tilespmem:$0x1FFD0];
	v21 =	vadd.f32 v31, v21;
	v1 =	vadd.f32 v32, v1  }
0x129: {  	v0 =	vadd.f32 v11, v0;
	v42 =	vld [tilespmem:$0xE220];
	v2 =	vadd.f32 v30, v2  }
0x12a: {  	v43 =	vld [tilespmem:$0x1FFE0];
	v16 =	vadd.f32 v34, v21;
	v1 =	vadd.f32 v35, v1  }
0x12b: {  	v0 =	vadd.f32 v10, v0;
	v44 =	vld [tilespmem:$0xE230];
	v2 =	vadd.f32 v33, v2  }
0x12c: {  	v46 =	vld [tilespmem:$0x1FFF0];
	v16 =	vadd.f32 v37, v16;
	v1 =	vadd.f32 v38, v1  }
0x12d: {  	v0 =	vadd.f32 v9, v0;
	v48 =	vld [tilespmem:$0xE2A0];
	v2 =	vadd.f32 v36, v2  }
0x12e: {  	v45 =	vld [tilespmem:$0xE290];
	v16 =	vadd.f32 v40, v16;
	v1 =	vadd.f32 v41, v1  }
0x12f: {  	v0 =	vadd.f32 v7, v0;
	v52 =	vld [tilespmem:$0xE310];
	v2 =	vadd.f32 v39, v2  }
0x130: {  	v49 =	vld [tilespmem:$0xE300];
	v12 =	vadd.f32 v43, v16;
	v1 =	vadd.f32 v44, v1  }
0x131: {  	v0 =	vadd.f32 v5, v0;
	v55 =	vld [tilespmem:$0xE380];
	v2 =	vadd.f32 v42, v2  }
0x132: {  	v54 =	vld [tilespmem:$0xE370];
	v11 =	vadd.f32 v46, v12;
	v1 =	vadd.f32 v48, v1  }
0x133: {  	v0 =	vadd.f32 v4, v0;
	v57 =	vld [tilespmem:$0xE3F0];
	v2 =	vadd.f32 v45, v2  }
0x134: {  	v51 =	vadd.f32 v56, v11;
	v56 =	vld [tilespmem:$0xE3E0];
	v1 =	vadd.f32 v52, v1  }
0x135: {  	v47 =	vld [tilespmem:$0xE3C0];
	v2 =	vadd.f32 v49, v2  }
0x136: {  	v0 =	vmul.f32 $3.125000000e-02, v0;
	v10 =	vadd.f32 v53, v51;
	v1 =	vadd.f32 v55, v1  }
0x137: {  	v58 =	vmul.f32 $3.125000000e-02, v17;
	v2 =	vadd.f32 v54, v2  }
0x138: {  	[tilespmem:$0xE440] =	vst v0;
	v60 =	vmul.f32 $3.125000000e-02, v19;
	v10 =	vadd.f32 v50, v10;
	v1 =	vadd.f32 v57, v1  }
0x139: {  	[tilespmem:$0xE400] =	vst v58;
	v61 =	vmul.f32 $3.125000000e-02, v15;
	v2 =	vadd.f32 v56, v2  }
0x13a: {  	[tilespmem:$0xE410] =	vst v60;
	v59 =	vadd.f32 v47, v10;
	v63 =	vmul.f32 $3.125000000e-02, v1  }
0x13b: {  	[tilespmem:$0xE420] =	vst v61;
	v2 =	vmul.f32 $3.125000000e-02, v2  }
0x13c: {  	v62 =	vmul.f32 $3.125000000e-02, v59;
	[tilespmem:$0xE460] =	vst v63  }
0x13d: {  	[tilespmem:$0xE450] =	vst v2  }
0x13e: {  	[tilespmem:$0xE430] =	vst v62  }
0x13f: {  	[spmem:s3] =	stream.linear.scatter [tilespmem:s15], [sflag:$0x5], $0x80, $0x38;
	[tilespmem:$0xE488] =	vst v63  }
0x140: {  	_ =	swait.ge [sflag:s11], $0x80  }
0x141: {  	[sflag:s11] =	ssyncset.done $0x0  }
0x142: {  	[sflag:s11] =	ssyncadd.s32 $0xFFFFFF80  }
.LBB2_3:
0x143: {  	[bflag:$0x0] =	sbarrier.arrive $0xFFFF  }
0x144: {  	_ =	swait.ge [sflag:s16], $0x2000  }
0x145: {  	[sflag:s16] =	ssyncset.done $0x0  }
0x146: {  	[sflag:s16] =	ssyncadd.s32 $0xFFFFE000  }
0x147: {  	[tilespmem:s17], [sflag:$0x4] =	stream.indirect.gather [spmem:s3], $0x1, s4, s9, $0xb8;
	[tilespmem:$0xE488] =	vst v63  }
0x148: {  	_ = 	snop  }
0x149: {  	[tilespmem:s15], [sflag:$0x5] =	stream.linear.gather [spmem:s3], $0x80, $0x38;
	[tilespmem:$0xE488] =	vst v63  }
0x14a: {  	_ =	swait.ge [sflag:s11], $0x80  }
0x14b: {  	[sflag:s11] =	ssyncset.done $0x0  }
0x14c: {  	[sflag:s11] =	ssyncadd.s32 $0xFFFFFF80  }
0x14d: {  	v0 =	vld [tilespmem:$0xE400]  }
0x14e: {  	v1 =	vld [tilespmem:$0xE410]  }
0x14f: {  	v2 =	vld [tilespmem:$0xE420]  }
0x150: {  	v3 =	vld [tilespmem:$0xE430]  }
0x151: {  	v4 =	vld [tilespmem:$0xE440]  }
0x152: {  	v5 =	vld [tilespmem:$0xE450]  }
0x153: {  	v6 =	vld [tilespmem:$0xE460];
	_ =	swait.ge [sflag:s18], $0x4400  }
0x154: {  	[sflag:s18] =	ssyncset.done $0x0  }
0x155: {  	s21 =	simm.s32 $0x2040;
	[sflag:s18] =	ssyncadd.s32 $0xFFFFBC00  }
0x156: {  	v14 =	vld [tilespmem:s21+$0x30]  }
0x157: {  	v7 =	vld [tilespmem:s21+$0xFFFFFFD0]  }
0x158: {  	v8 =	vld [tilespmem:s21+$0xFFFFFFE0]  }
0x159: {  	v11 =	vld [tilespmem:s21+$0x10];
	_ =	sdelay $0x1  }
0x15a: {  	v9 =	vld [tilespmem:s21+$0xFFFFFFF0]  }
0x15b: {  	v10 =	vld [tilespmem:s21+$0x0];
	v15 =	vand.u32 $0xF, v14  }
0x15c: {  	v16 =	vand.u32 $0xF, v7;
	v18 =	vand.u32 $0xF, v8;
	vm0 =	vgt.s32 v14, $0xF  }
0x15d: {  	v25 =	vand.u32 $0xF, v11;
	vm1 =	vgt.s32 v7, $0xF;
	v12 =	vperm.xlane v0, v15  }
0x15e: {  	vm2 =	vgt.s32 v8, $0xF;
	v17 =	vperm.xlane v1, v15;
	v19 =	vperm.xlane v2, v15  }
0x15f: {  	vm3 =	vgt.s32 v9, $0xF;
	v20 =	vperm.xlane v3, v15;
	v22 =	vperm.xlane v0, v16  }
0x160: {  	vm4 =	vgt.s32 v10, $0xF;
	v23 =	vperm.xlane v1, v16;
	v24 =	vperm.xlane v0, v18  }
0x161: {  	vm5 =	vgt.s32 v11, $0xF;
	v27 =	vperm.xlane v1, v18;
	v32 =	vperm.xlane v0, v25  }
0x162: {  	vm15 =	vgt.s32 v11, $0x1F;
	v33 =	vperm.xlane v1, v25;
	v37 =	vperm.xlane v2, v18  }
0x163: {  	vm9 =	vgt.s32 v11, $0x2F;
	v46 =	vperm.xlane v3, v16;
	v48 =	vperm.xlane v3, v18  }
0x164: {  	vm11 =	vgt.s32 v11, $0x3F;
	v41 =	vperm.xlane v3, v25;
	v51 =	vperm.xlane v4, v18  }
0x165: {  	vm13 =	vgt.s32 v9, $0x4F;
	v54 =	vperm.xlane v4, v25;
	v56 =	vperm.xlane v5, v16  }
0x166: {  	vm14 =	vgt.s32 v10, $0x4F;
	v57 =	vperm.xlane v5, v18;
	v42 =	vperm.xlane v5, v25  }
0x167: {  	v13 =	vld [tilespmem:s21+$0xFFFFFFC0];
	v17 =	vsel vm0, v17, v12;
	vm0 =	vgt.s32 v14, $0x1F;
	v22 =	vsel vm1, v23, v22  }
0x168: {  	v24 =	vsel vm2, v27, v24;
	v27 =	vperm.xlane v2, v25;
	vm1 =	vgt.s32 v7, $0x1F  }
0x169: {  	v17 =	vsel vm0, v19, v17;
	vm0 =	vgt.s32 v14, $0x2F;
	v19 =	vperm.xlane v4, v15  }
0x16a: {  	v17 =	vsel vm0, v20, v17;
	vm0 =	vgt.s32 v14, $0x3F;
	v20 =	vperm.xlane v5, v15  }
0x16b: {  	v15 =	vperm.xlane v6, v15;
	v17 =	vsel vm0, v19, v17;
	vm0 =	vgt.s32 v14, $0x4F  }
0x16c: {  	v12 =	vld [tilespmem:s21+$0x20];
	v19 =	vand.u32 $0xF, v13;
	v17 =	vsel vm0, v20, v17;
	vm0 =	vgt.s32 v14, $0x5F  }
0x16d: {  	v14 =	vand.u32 $0xF, v9;
	v21 =	vperm.xlane v1, v19;
	v35 =	vperm.xlane v2, v19  }
0x16e: {  	v55 =	vperm.xlane v5, v19;
	v17 =	vsel vm0, v15, v17;
	v15 =	vperm.xlane v0, v19  }
0x16f: {  	v20 =	vand.u32 $0xF, v10;
	v28 =	vperm.xlane v0, v14;
	v29 =	vperm.xlane v1, v14  }
0x170: {  	vm2 =	vgt.s32 v8, $0x1F;
	v30 =	vperm.xlane v0, v20;
	v31 =	vperm.xlane v1, v20  }
0x171: {  	v26 =	vand.u32 $0xF, v12;
	v23 =	vperm.xlane v2, v14;
	v38 =	vperm.xlane v2, v20  }
0x172: {  	vm0 =	vgt.s32 v13, $0xF;
	v49 =	vperm.xlane v3, v14;
	v40 =	vperm.xlane v3, v20  }
0x173: {  	vm6 =	vgt.s32 v12, $0xF;
	v52 =	vperm.xlane v4, v14;
	v53 =	vperm.xlane v4, v20  }
0x174: {  	vm8 =	vgt.s32 v12, $0x1F;
	v58 =	vperm.xlane v5, v14;
	v59 =	vperm.xlane v5, v20  }
0x175: {  	vm10 =	vgt.s32 v12, $0x2F;
	v34 =	vperm.xlane v0, v26;
	v36 =	vperm.xlane v1, v26  }
0x176: {  	vm12 =	vgt.s32 v12, $0x3F;
	v39 =	vperm.xlane v2, v26;
	v50 =	vperm.xlane v3, v26  }
0x177: {  	v15 =	vsel vm0, v21, v15;
	v21 =	vperm.xlane v2, v16;
	v28 =	vsel vm3, v29, v28  }
0x178: {  	v29 =	vsel vm4, v31, v30;
	v30 =	vsel vm5, v33, v32;
	v31 =	vperm.xlane v3, v19  }
0x179: {  	vm0 =	vgt.s32 v13, $0x1F;
	vm3 =	vgt.s32 v9, $0x1F;
	v47 =	vsel vm6, v36, v34  }
0x17a: {  	v15 =	vsel vm0, v35, v15;
	vm0 =	vgt.s32 v10, $0x1F;
	v23 =	vsel vm3, v23, v28  }
0x17b: {  	v27 =	vsel vm15, v27, v30;
	v28 =	vperm.xlane v4, v19;
	vm3 =	vgt.s32 v9, $0x2F  }
0x17c: {  	vm15 =	vgt.s32 v11, $0x4F;
	v21 =	vsel vm1, v21, v22;
	v22 =	vsel vm2, v37, v24  }
0x17d: {  	v24 =	vsel vm0, v38, v29;
	v29 =	vperm.xlane v4, v16;
	v30 =	vsel vm8, v39, v47  }
0x17e: {  	vm0 =	vgt.s32 v13, $0x2F;
	vm1 =	vgt.s32 v7, $0x2F;
	vm2 =	vgt.s32 v8, $0x2F  }
0x17f: {  	v23 =	vsel vm3, v49, v23;
	v27 =	vsel vm9, v41, v27;
	vm3 =	vgt.s32 v9, $0x3F  }
0x180: {  	v15 =	vsel vm0, v31, v15;
	v31 =	vperm.xlane v4, v26;
	vm0 =	vgt.s32 v10, $0x2F  }
0x181: {  	v32 =	vsel vm1, v46, v21;
	v22 =	vsel vm2, v48, v22;
	v30 =	vsel vm10, v50, v30  }
0x182: {  	vm1 =	vgt.s32 v7, $0x3F;
	vm2 =	vgt.s32 v8, $0x3F;
	v21 =	vperm.xlane v5, v26  }
0x183: {  	v61 =	vsel vm3, v52, v23;
	v63 =	vsel vm11, v54, v27;
	vm3 =	vgt.s32 v8, $0x4F  }
0x184: {  	v24 =	vsel vm0, v40, v24;
	vm0 =	vgt.s32 v13, $0x3F;
	v29 =	vsel vm1, v29, v32  }
0x185: {  	v60 =	vsel vm2, v51, v22;
	vm1 =	vgt.s32 v13, $0x4F;
	v22 =	vperm.xlane v6, v18  }
0x186: {  	s21 =	simm.s32 $0x8470;
	v18 =	vperm.xlane v6, v14;
	vm2 =	vgt.s32 v7, $0x4F;
	v14 =	vperm.xlane v6, v25  }
0x187: {  	[tilespmem:s21+$0x0] =	vst v17;
	v27 =	vsel vm13, v58, v61;
	v17 =	vsel vm15, v42, v63;
	v28 =	vsel vm0, v28, v15  }
0x188: {  	vm0 =	vgt.s32 v10, $0x3F;
	v23 =	vsel vm12, v31, v30;
	v15 =	vperm.xlane v6, v20  }
0x189: {  	v25 =	vsel vm3, v57, v60;
	v62 =	vsel vm0, v53, v24;
	v24 =	vperm.xlane v6, v19  }
0x18a: {  	v19 =	vperm.xlane v6, v16;
	v16 =	vperm.xlane v6, v26;
	vm0 =	vgt.s32 v12, $0x4F  }
0x18b: {  	s22 =	simm.s32 $0x0;
	s23 =	simm.s32 $0x20C0;
	v28 =	vsel vm1, v55, v28;
	v26 =	vsel vm2, v56, v29;
	v20 =	vsel vm14, v59, v62  }
.LBB2_4:
0x18c: {  	v29 =	vld [tilespmem:s23+$0x30];
	s22 =	sadd.s32 $0x8, s22;
	vm1 =	vgt.s32 v13, $0x5F;
	vm2 =	vgt.s32 v7, $0x5F;
	v13 =	vsel vm0, v21, v23  }
0x18d: {  	vm0 =	vgt.s32 v8, $0x5F;
	vm3 =	vgt.s32 v9, $0x5F;
	vm4 =	vgt.s32 v10, $0x5F;
	v7 =	vld [tilespmem:s23+$0xFFFFFFD0];
	p1 =	slt.u32 s22, $0x438  }
0x18e: {  	vm5 =	vgt.s32 v12, $0x5F;
	v10 =	vsel vm1, v24, v28;
	vm1 =	vgt.s32 v11, $0x5F;
	v8 =	vld [tilespmem:s23+$0xFFFFFFE0]  }
0x18f: {  	v11 =	vsel vm2, v19, v26;
	v12 =	vsel vm0, v22, v25;
	v18 =	vsel vm3, v18, v27;
	v9 =	vld [tilespmem:s23+$0xFFFFFFF0];
	[tilespmem:s21+$0xFFFFFF90] =	vst v10  }
0x190: {  	v19 =	vsel vm4, v15, v20;
	v16 =	vsel vm5, v16, v13;
	v17 =	vsel vm1, v14, v17;
	v10 =	vld [tilespmem:s23+$0x0];
	[tilespmem:s21+$0xFFFFFFA0] =	vst v11  }
0x191: {  	v11 =	vld [tilespmem:s23+$0x10];
	v20 =	vand.u32 $0xF, v29;
	[tilespmem:s21+$0xFFFFFFB0] =	vst v12  }
0x192: {  	v14 =	vand.u32 $0xF, v7;
	v12 =	vld [tilespmem:s23+$0x20];
	v21 =	vperm.xlane v0, v20;
	v22 =	vperm.xlane v1, v20;
	[tilespmem:s21+$0xFFFFFFC0] =	vst v18  }
0x193: {  	vm0 =	vgt.s32 v29, $0xF;
	v18 =	vperm.xlane v2, v20;
	v13 =	vld [tilespmem:s23+$0xFFFFFFC0];
	v15 =	vand.u32 $0xF, v8;
	[tilespmem:s21+$0xFFFFFFD0] =	vst v19  }
0x194: {  	v19 =	vsel vm0, v22, v21;
	vm0 =	vgt.s32 v29, $0x1F;
	v21 =	vperm.xlane v3, v20;
	[tilespmem:s21+$0xFFFFFFE0] =	vst v17  }
0x195: {  	v17 =	vsel vm0, v18, v19;
	vm0 =	vgt.s32 v29, $0x2F;
	v18 =	vperm.xlane v4, v20;
	[tilespmem:s21+$0xFFFFFFF0] =	vst v16  }
0x196: {  	v16 =	vsel vm0, v21, v17;
	vm0 =	vgt.s32 v29, $0x3F;
	v17 =	vperm.xlane v5, v20  }
0x197: {  	v20 =	vperm.xlane v6, v20;
	v16 =	vsel vm0, v18, v16;
	vm0 =	vgt.s32 v29, $0x4F  }
0x198: {  	v19 =	vand.u32 $0xF, v13;
	v17 =	vsel vm0, v17, v16;
	vm0 =	vgt.s32 v29, $0x5F  }
0x199: {  	s21 =	sadd.s32 $0x80, s21;
	v18 =	vand.u32 $0xF, v9;
	v16 =	vand.u32 $0xF, v10;
	v21 =	vsel vm0, v20, v17  }
0x19a: {  	v22 =	vperm.xlane v0, v19;
	v20 =	vand.u32 $0xF, v11;
	v17 =	vand.u32 $0xF, v12;
	[tilespmem:s21+$0x0] =	vst v21  }
0x19b: {  	v23 =	vperm.xlane v0, v14;
	vm0 =	vgt.s32 v13, $0xF;
	v21 =	vperm.xlane v1, v19  }
0x19c: {  	vm1 =	vgt.s32 v7, $0xF;
	v24 =	vperm.xlane v1, v14;
	v25 =	vperm.xlane v0, v15  }
0x19d: {  	vm2 =	vgt.s32 v8, $0xF;
	v26 =	vperm.xlane v1, v15;
	v27 =	vperm.xlane v0, v18  }
0x19e: {  	vm3 =	vgt.s32 v9, $0xF;
	v28 =	vperm.xlane v1, v18;
	v29 =	vperm.xlane v0, v16  }
0x19f: {  	vm4 =	vgt.s32 v10, $0xF;
	v30 =	vperm.xlane v1, v16;
	v31 =	vperm.xlane v0, v20  }
0x1a0: {  	vm5 =	vgt.s32 v11, $0xF;
	v32 =	vperm.xlane v1, v20;
	v33 =	vperm.xlane v0, v17  }
0x1a1: {  	vm6 =	vgt.s32 v12, $0xF;
	v34 =	vperm.xlane v2, v19;
	v35 =	vperm.xlane v1, v17  }
0x1a2: {  	v36 =	vperm.xlane v2, v15;
	v21 =	vsel vm0, v21, v22;
	v22 =	vperm.xlane v2, v14  }
0x1a3: {  	v23 =	vsel vm1, v24, v23;
	v24 =	vperm.xlane v2, v18;
	v37 =	vperm.xlane v2, v16  }
0x1a4: {  	v25 =	vsel vm2, v26, v25;
	v26 =	vperm.xlane v2, v20;
	v38 =	vperm.xlane v2, v17  }
0x1a5: {  	v27 =	vsel vm3, v28, v27;
	v28 =	vsel vm4, v30, v29;
	v29 =	vsel vm5, v32, v31  }
0x1a6: {  	v30 =	vperm.xlane v3, v19;
	v31 =	vperm.xlane v3, v14;
	v32 =	vsel vm6, v35, v33  }
0x1a7: {  	vm0 =	vgt.s32 v13, $0x1F;
	v33 =	vperm.xlane v3, v15;
	v35 =	vperm.xlane v3, v18  }
0x1a8: {  	vm1 =	vgt.s32 v7, $0x1F;
	v39 =	vperm.xlane v3, v16;
	v40 =	vperm.xlane v3, v20  }
0x1a9: {  	vm2 =	vgt.s32 v8, $0x1F;
	vm3 =	vgt.s32 v9, $0x1F;
	v41 =	vperm.xlane v3, v17  }
0x1aa: {  	vm4 =	vgt.s32 v10, $0x1F;
	vm5 =	vgt.s32 v11, $0x1F;
	vm6 =	vgt.s32 v12, $0x1F  }
0x1ab: {  	v21 =	vsel vm0, v34, v21;
	v22 =	vsel vm1, v22, v23;
	v23 =	vsel vm2, v36, v25  }
0x1ac: {  	v24 =	vsel vm3, v24, v27;
	v26 =	vsel vm5, v26, v29;
	v25 =	vsel vm4, v37, v28  }
0x1ad: {  	v27 =	vperm.xlane v4, v19;
	v29 =	vsel vm6, v38, v32;
	v28 =	vperm.xlane v4, v14  }
0x1ae: {  	vm0 =	vgt.s32 v13, $0x2F;
	v32 =	vperm.xlane v4, v15;
	v34 =	vperm.xlane v4, v18  }
0x1af: {  	vm1 =	vgt.s32 v7, $0x2F;
	v36 =	vperm.xlane v4, v16;
	v37 =	vperm.xlane v4, v20  }
0x1b0: {  	vm3 =	vgt.s32 v9, $0x2F;
	v38 =	vperm.xlane v4, v17;
	vm2 =	vgt.s32 v8, $0x2F  }
0x1b1: {  	vm5 =	vgt.s32 v11, $0x2F;
	vm6 =	vgt.s32 v12, $0x2F;
	vm4 =	vgt.s32 v10, $0x2F  }
0x1b2: {  	v30 =	vsel vm0, v30, v21;
	v22 =	vsel vm1, v31, v22;
	v23 =	vsel vm2, v33, v23  }
0x1b3: {  	v24 =	vsel vm3, v35, v24;
	v26 =	vsel vm5, v40, v26;
	v25 =	vsel vm4, v39, v25  }
0x1b4: {  	v29 =	vsel vm6, v41, v29;
	v31 =	vperm.xlane v5, v19;
	v33 =	vperm.xlane v5, v14  }
0x1b5: {  	vm0 =	vgt.s32 v13, $0x3F;
	v35 =	vperm.xlane v5, v15;
	v39 =	vperm.xlane v5, v18  }
0x1b6: {  	v40 =	vperm.xlane v5, v16;
	v41 =	vperm.xlane v5, v20;
	vm1 =	vgt.s32 v7, $0x3F  }
0x1b7: {  	vm3 =	vgt.s32 v9, $0x3F;
	v21 =	vperm.xlane v5, v17;
	vm2 =	vgt.s32 v8, $0x3F  }
0x1b8: {  	vm5 =	vgt.s32 v11, $0x3F;
	vm6 =	vgt.s32 v12, $0x3F;
	vm4 =	vgt.s32 v10, $0x3F  }
0x1b9: {  	v27 =	vsel vm0, v27, v30;
	v30 =	vsel vm1, v28, v22;
	v32 =	vsel vm2, v32, v23  }
0x1ba: {  	v34 =	vsel vm3, v34, v24;
	v36 =	vsel vm4, v36, v25;
	v37 =	vsel vm5, v37, v26  }
0x1bb: {  	v24 =	vperm.xlane v6, v19;
	v19 =	vperm.xlane v6, v14;
	v23 =	vsel vm6, v38, v29  }
0x1bc: {  	v18 =	vperm.xlane v6, v18;
	vm1 =	vgt.s32 v13, $0x4F;
	v22 =	vperm.xlane v6, v15  }
.Ltmp1:
0x1bd: {  	v14 =	vperm.xlane v6, v20;
	vm2 =	vgt.s32 v7, $0x4F;
	v15 =	vperm.xlane v6, v16;
	(pc) =	sbr.rel @p1 .LBB2_4-.Ltmp1, $4  }
0x1be: {  	vm3 =	vgt.s32 v8, $0x4F;
	vm4 =	vgt.s32 v9, $0x4F;
	v16 =	vperm.xlane v6, v17  }
0x1bf: {  	vm0 =	vgt.s32 v12, $0x4F;
	vm5 =	vgt.s32 v10, $0x4F;
	vm6 =	vgt.s32 v11, $0x4F  }
0x1c0: {  	v28 =	vsel vm1, v31, v27;
	v26 =	vsel vm2, v33, v30;
	v25 =	vsel vm3, v35, v32  }
0x1c1: {  	s23 =	sadd.s32 $0x80, s23;
	v27 =	vsel vm4, v39, v34;
	v20 =	vsel vm5, v40, v36;
	v17 =	vsel vm6, v41, v37  }
0x1c2: {  	vm1 =	vgt.s32 v13, $0x5F  }
0x1c3: {  	vm2 =	vgt.s32 v7, $0x5F;
	v0 =	vsel vm1, v24, v28  }
0x1c4: {  	vm11 =	vgt.s32 v8, $0x5F;
	v60 =	vsel vm2, v19, v26;
	[tilespmem:s21+$0xFFFFFF90] =	vst v0  }
0x1c5: {  	vm12 =	vgt.s32 v9, $0x5F;
	v1 =	vsel vm11, v22, v25;
	[tilespmem:s21+$0xFFFFFFA0] =	vst v60  }
0x1c6: {  	vm13 =	vgt.s32 v10, $0x5F;
	v61 =	vsel vm12, v18, v27;
	[tilespmem:s21+$0xFFFFFFB0] =	vst v1  }
0x1c7: {  	vm14 =	vgt.s32 v11, $0x5F;
	v62 =	vsel vm13, v15, v20;
	[tilespmem:s21+$0xFFFFFFC0] =	vst v61  }
0x1c8: {  	v63 =	vsel vm0, v21, v23;
	vm15 =	vgt.s32 v12, $0x5F;
	v2 =	vsel vm14, v14, v17;
	[tilespmem:s21+$0xFFFFFFD0] =	vst v62  }
0x1c9: {  	v0 =	vsel vm15, v16, v63;
	[tilespmem:s21+$0xFFFFFFE0] =	vst v2  }
0x1ca: {  	[tilespmem:s21+$0xFFFFFFF0] =	vst v0  }
0x1cb: {  	s20 =	sadd.s32 $0x1, s20;
	_ =	swait.ge [sflag:s19], $0x2000  }
0x1cc: {  	p1 =	sne.s32 s20, s8;
	[sflag:s19] =	ssyncset.done $0x0  }
.Ltmp2:
0x1cd: {  	[sflag:s19] =	ssyncadd.s32 $0xFFFFE000;
	(pc) =	sbr.rel @p1 .LBB2_1-.Ltmp2, $4  }
0x1ce: {  	[hbm4b:s7+s4] =	stream.linear.scatter [tilespmem:s17], [sflag:$0x5], $0x6400, $0x38;
	[tilespmem:$0xE488] =	vst v63  }
0x1cf: {  	_ =	swait.ge [sflag:s11], $0x6400  }
0x1d0: {  	[sflag:s11] =	ssyncset.done $0x0  }
0x1d1: {  	[sflag:s11] =	ssyncadd.s32 $0xFFFF9C00  }
0x1d2: {  	_ =	sfence.sel $0x180000  }
0x1d3: {  	[bflag:$0x0] =	sbarrier.arrive $0xFFFF  }
0x1d4: {  	_ =	strace $0x90000047  }
0x1d5: {  	s0 =	sadd.s32 @!p0 $0x100000, s2;
	[bflag:$0x2] =	sbarrier.arrive $0xFFFF  }
0x1d6: {  	[sflag:s0] =	ssyncadd.tile.s32 @!p0 $0x1;
	_ =	shalt  }
.Lfunc_end2:
_tile_overlayer_lowered:
.L_overlay_start_2:
0x1d7: {  	(tag) =	ssettag $0x2  }
0x1d8: {  	s0 =	rddreg [dreg:$0x0];
	s2 =	stileid.u32  }
0x1d9: {  	s1 =	rddreg [dreg:$0x1];
	p0 =	sne.s32 s2, $0x0  }
0x1da: {  	s3 =	rddreg [dreg:$0x2];
	[bflag:$0x3] =	sbarrier.arrive $0xFFFF;
	s2 =	simm.s32 @!p0 $0x1C05  }
0x1db: {  	[timem:s3], [sflag:s2] =	dma.local @!p0 [hbm:s0], s1  }
0x1dc: {  	s0 =	simm.s32 @!p0 $0x5  }
0x1dd: {  	_ =	swait.ge @!p0 [sflag:s0], s1  }
0x1de: {  	s1 =	ssub.s32 @!p0 $0x0, s1;
	[sflag:s0] =	ssyncset.done @!p0 $0x0  }
0x1df: {  	[sflag:s0] =	ssyncadd.s32 @!p0 s1  }
0x1e0: {  	[bflag:$0x3] =	sbarrier.arrive $0xFFFF  }
0x1e1: {  	_ =	shalt  }

</sc_bundles>
